<compile_context>
chip_gen: v7x
topology: tpu7x:2x2x1
jax: 0.10.2.dev20260603
libtpu: 0.0.44.dev20260713+nightly
codegen_flags: <defaults>
</compile_context>

<pallas_src>
import functools

import jax
import jax.numpy as jnp
from jax import lax
from jax.experimental import pallas as pl
from jax.experimental.pallas import tpu as pltpu, tpu_sc as plsc

_L = 16


def _sc_encode(boxes_t, gtb_t, gtf_t, gid2, flag2, B, N, G):
    info = plsc.get_sparse_core_info()
    NC, NS = info.num_cores, info.num_subcores
    assert NC * NS == B, (NC, NS, B)
    n_full = N // _L
    has_tail = (N % _L) != 0
    NT = (N + 127) // 128
    TPAD = NT * 128
    mesh = plsc.VectorSubcoreMesh(core_axis_name="c", subcore_axis_name="s")

    @functools.partial(
        pl.kernel,
        out_type=(
            jax.ShapeDtypeStruct((B, NT, 128), jnp.float32),
            jax.ShapeDtypeStruct((B, 2 * NT, 128), jnp.float32),
            jax.ShapeDtypeStruct((B, N), jnp.float32),
        ),
        mesh=mesh,
        compiler_params=pltpu.CompilerParams(
            needs_layout_passes=False,
            skip_device_barrier=True,
            disable_bounds_checks=True,
            disable_semaphore_checks=True,
        ),
        scratch_types=[
            pltpu.VMEM((N,), jnp.float32),
            pltpu.VMEM((N,), jnp.float32),
            pltpu.VMEM((N,), jnp.float32),
            pltpu.VMEM((N,), jnp.float32),
            pltpu.VMEM((N,), jnp.int32),
            pltpu.VMEM((N,), jnp.int32),
            pltpu.VMEM((6 * G,), jnp.float32),
            pltpu.VMEM((NT, 128), jnp.float32),
            pltpu.VMEM((2 * NT, 128), jnp.float32),
            pltpu.VMEM((N,), jnp.float32),
            pltpu.SemaphoreType.DMA,
        ],
    )
    def body(boxes_hbm, gtb_hbm, gtf_hbm, gid_hbm, flag_hbm,
             o1_hbm, o3_hbm, o5_hbm,
             bx1_v, by1_v, bx2_v, by2_v, gid_v, flag_v, gt_v,
             o1_v, o3_v, o5_v, sem):
        w = lax.axis_index("s") * NC + lax.axis_index("c")
        cps = [
            pltpu.async_copy(boxes_hbm.at[w, 0], bx1_v, sem),
            pltpu.async_copy(boxes_hbm.at[w, 1], by1_v, sem),
            pltpu.async_copy(boxes_hbm.at[w, 2], bx2_v, sem),
            pltpu.async_copy(boxes_hbm.at[w, 3], by2_v, sem),
            pltpu.async_copy(gid_hbm.at[w], gid_v, sem),
            pltpu.async_copy(flag_hbm.at[w], flag_v, sem),
            pltpu.async_copy(gtb_hbm.at[4, w], gt_v.at[pl.ds(0, G)], sem),
            pltpu.async_copy(gtf_hbm.at[0, w], gt_v.at[pl.ds(1 * G, G)], sem),
            pltpu.async_copy(gtf_hbm.at[1, w], gt_v.at[pl.ds(2 * G, G)], sem),
            pltpu.async_copy(gtf_hbm.at[2, w], gt_v.at[pl.ds(3 * G, G)], sem),
            pltpu.async_copy(gtf_hbm.at[3, w], gt_v.at[pl.ds(4 * G, G)], sem),
            pltpu.async_copy(gtf_hbm.at[8, w], gt_v.at[pl.ds(5 * G, G)], sem),
        ]
        for cp in cps:
            cp.wait()

        def chunk(s):
            gid = gid_v[pl.ds(s, _L)]
            flag = flag_v[pl.ds(s, _L)]
            bx1 = bx1_v[pl.ds(s, _L)]
            by1 = by1_v[pl.ds(s, _L)]
            bx2 = bx2_v[pl.ds(s, _L)]
            by2 = by2_v[pl.ds(s, _L)]
            cls = plsc.load_gather(gt_v, [gid])
            gx1 = plsc.load_gather(gt_v, [gid + G])
            gy1 = plsc.load_gather(gt_v, [gid + 2 * G])
            gx2 = plsc.load_gather(gt_v, [gid + 3 * G])
            gy2 = plsc.load_gather(gt_v, [gid + 4 * G])
            gcl = plsc.load_gather(gt_v, [gid + 5 * G])

            pos = flag > 0
            regm0 = jnp.logical_and(pos, cls > 0.0)
            g = jnp.where(flag == 0, 0.0, gcl)
            g = jnp.where(flag < 0, -1.0, g)
            g = jnp.where(cls == 0.0, -1.0, g)
            dx = gx1 - gx2
            dy = gy1 - gy2
            dxz = dx == 0.0
            dxs = jnp.where(dxz, 1.0, dx)
            slope = dy / dxs
            cy1 = jnp.where(dxz, 0.0, slope * (bx1 - gx2) + gy2)
            cy2 = jnp.where(dxz, 0.0, slope * (bx2 - gx2) + gy2)
            bw = bx2 - bx1
            bh = by2 - by1
            m = jnp.logical_and(jnp.logical_and(bw > 0.0, bh > 0.0),
                                jnp.logical_not(dxz))
            inv_bh = 1.0 / bh
            r1 = (cy1 - by2) * inv_bh
            r2 = (cy2 - by2) * inv_bh
            regm = jnp.logical_and(regm0, m)

            blk = jax.lax.shift_right_logical(s, 7)
            col = jnp.bitwise_and(s, 127)
            o1_v[blk, pl.ds(col, _L)] = g
            o3_v[2 * blk, pl.ds(col, _L)] = r1
            o3_v[2 * blk + 1, pl.ds(col, _L)] = r2
            o5_v[pl.ds(s, _L)] = jnp.where(regm, 1.0, 0.0)

        @plsc.parallel_loop(0, n_full * _L, step=_L)
        def _(s):
            chunk(s)

        if has_tail:
            chunk(N - _L)

        ocps = [
            pltpu.async_copy(o1_v, o1_hbm.at[w], sem),
            pltpu.async_copy(o3_v, o3_hbm.at[w], sem),
            pltpu.async_copy(o5_v, o5_hbm.at[w], sem),
        ]
        for cp in ocps:
            cp.wait()

    return body(boxes_t, gtb_t, gtf_t, gid2, flag2)


@jax.jit
def kernel(boxes, gt_boxes, gt_flanks, match_pos_flag, match_gt_id):
    B, N, _ = boxes.shape
    G = gt_boxes.shape[1]

    o_cls, o_reg, o_rm = _sc_encode(
        jnp.transpose(boxes, (0, 2, 1)),
        jnp.transpose(gt_boxes, (2, 0, 1)),
        jnp.transpose(gt_flanks, (2, 0, 1)),
        match_gt_id, match_pos_flag, B, N, G)
    TPAD = o_cls.shape[1] * 128
    gdls_cls = o_cls.reshape(B, TPAD, 1)[:, :N]
    cls_label_mask = gdls_cls >= 0.0
    reg_label = jnp.transpose(o_reg.reshape(B, TPAD // 128, 2, 128),
                              (0, 1, 3, 2)).reshape(B, TPAD, 2)[:, :N]
    reg_label_mask = jnp.broadcast_to((o_rm != 0.0)[..., None],
                                      reg_label.shape)
    return gdls_cls, cls_label_mask, reg_label, reg_label_mask

# --- scband reference (transcript-rebuilt; emitter-appended) ---
"""Pipeline reference for scband-match-label-ground-line-encoder-15719580304263 (READ-ONLY COPY).

The authoritative reference and input builder live on the scoring server;
editing this copy changes nothing except your own understanding.
"""

import jax, jax.numpy as jnp
import numpy as np


def take_row(arr, idx):
    # arr: [B, G, D], idx: [B, N] -> [B, N, D]
    return jnp.take_along_axis(arr, idx[..., None], axis=1)


def setup_inputs(seed: int = 0) -> dict:
    key = jax.random.key(seed)
    k1, k2, k3, k4, k5 = jax.random.split(key, 5)
    B, N, G = 32, 1000, 128
    boxes = jax.random.normal(k1, (B, N, 4), dtype=jnp.float32)
    gt_boxes = jax.random.normal(k2, (B, G, 5), dtype=jnp.float32)
    gt_flanks = jax.random.normal(k3, (B, G, 9), dtype=jnp.float32)
    match_pos_flag = jax.random.randint(k4, (B, N), 0, 3, dtype=jnp.int32)
    match_gt_id = jax.random.randint(k5, (B, N), 0, G, dtype=jnp.int32)
    return {
        "boxes": boxes,
        "gt_boxes": gt_boxes,
        "gt_flanks": gt_flanks,
        "match_pos_flag": match_pos_flag,
        "match_gt_id": match_gt_id,
    }


def reference(boxes, gt_boxes, gt_flanks, match_pos_flag, match_gt_id):
    # limit_reg_length=False, cls_use_pos_only=False, cls_on_hard=False, reg_on_hard=False
    matched_gt_boxes = take_row(gt_boxes, match_gt_id)      # [B, N, 5]
    matched_gt_flanks = take_row(gt_flanks, match_gt_id)    # [B, N, 9]
    cls_label = matched_gt_boxes[..., 4]                    # [B, N]
    matched_gdls = matched_gt_flanks[..., :4]               # [B, N, 4]
    gdls_cls = matched_gt_flanks[..., 8]                    # [B, N]
    pos_match = match_pos_flag > 0
    # reg_on_hard=False branch
    reg_label_mask = jnp.logical_and(pos_match, cls_label > 0)
    reg_label_mask = reg_label_mask[..., None]              # [B, N, 1]
    # in-place edits on gdls_cls rewritten functionally
    gdls_cls = jnp.where(match_pos_flag == 0, 0.0, gdls_cls)
    gdls_cls = jnp.where(match_pos_flag < 0, -1.0, gdls_cls)
    gdls_cls = jnp.where(cls_label == 0, -1.0, gdls_cls)
    gdls_cls = gdls_cls[..., None]                          # [B, N, 1]
    cls_label_mask = gdls_cls >= 0
    boxes_x1, boxes_y1, boxes_x2, boxes_y2 = jnp.split(boxes, 4, axis=-1)
    # get_intersections_to_vertical
    x1, y1, x2, y2 = jnp.split(matched_gdls, 4, axis=-1)
    delta_x = x1 - x2
    delta_y = y1 - y2
    dx_safe = jnp.where(delta_x == 0, 1.0, delta_x)
    coords_y1 = jnp.where(delta_x == 0, 0.0, delta_y / dx_safe * (boxes_x1 - x2) + y2)
    coords_y2 = jnp.where(delta_x == 0, 0.0, delta_y / dx_safe * (boxes_x2 - x2) + y2)
    inter_mask = delta_x != 0
    boxes_width = boxes_x2 - boxes_x1
    boxes_height = boxes_y2 - boxes_y1
    boxes_mask = jnp.logical_and(boxes_width > 0, boxes_height > 0)
    mask = jnp.logical_and(boxes_mask, inter_mask)
    # limit_reg_length=False branch
    coords_ys = jnp.concatenate([coords_y1, coords_y2], axis=-1)  # [B, N, 2]
    reg_label = (coords_ys - boxes_y2) / boxes_height
    reg_label_mask = jnp.logical_and(reg_label_mask, mask)
    reg_label_mask = jnp.broadcast_to(reg_label_mask, reg_label.shape)
    return (gdls_cls, cls_label_mask, reg_label, reg_label_mask)

if __name__ == "__main__":
    import jax
    _d = setup_inputs()
    print(jax.jit(kernel)(*tuple(_d.values())))

</pallas_src>

<mosaic_0001>
#map = affine_map<(d0, d1) -> (0, 0, 0)>
#map1 = affine_map<(d0, d1) -> (0, 0)>
module attributes {stable_mosaic.version = 14 : i64} {
  func.func @body(%arg0: i32, %arg1: i32, %arg2: memref<32x4x1000xf32, #tpu.memory_space<hbm>>, %arg3: memref<5x32x128xf32, #tpu.memory_space<hbm>>, %arg4: memref<9x32x128xf32, #tpu.memory_space<hbm>>, %arg5: memref<32x1000xi32, #tpu.memory_space<hbm>>, %arg6: memref<32x1000xi32, #tpu.memory_space<hbm>>, %arg7: memref<32x8x128xf32, #tpu.memory_space<hbm>>, %arg8: memref<32x16x128xf32, #tpu.memory_space<hbm>>, %arg9: memref<32x1000xf32, #tpu.memory_space<hbm>>, %arg10: memref<1000xf32, #tpu.memory_space<vmem>>, %arg11: memref<1000xf32, #tpu.memory_space<vmem>>, %arg12: memref<1000xf32, #tpu.memory_space<vmem>>, %arg13: memref<1000xf32, #tpu.memory_space<vmem>>, %arg14: memref<1000xi32, #tpu.memory_space<vmem>>, %arg15: memref<1000xi32, #tpu.memory_space<vmem>>, %arg16: memref<768xf32, #tpu.memory_space<vmem>>, %arg17: memref<8x128xf32, #tpu.memory_space<vmem>>, %arg18: memref<16x128xf32, #tpu.memory_space<vmem>>, %arg19: memref<1000xf32, #tpu.memory_space<vmem>>, %arg20: memref<!tpu.dma_semaphore, #tpu.memory_space<semaphore_mem>>) attributes {dimension_semantics = [#tpu.dimension_semantics<core_parallel>, #tpu.dimension_semantics<subcore_parallel>], iteration_bounds = array<i64: 2, 16>, scalar_prefetch = 0 : i64, scratch_operands = 11 : i64, tpu.core_type = #tpu.core_type<sc_vector_subcore>, window_params = [{transform_indices = #map}, {transform_indices = #map}, {transform_indices = #map}, {transform_indices = #map1}, {transform_indices = #map1}, {transform_indices = #map}, {transform_indices = #map}, {transform_indices = #map1}]} {
    %mul3A = arith.constant 2 : i32
    %mul3A_0 = arith.muli %arg1, %mul3A : i32
    %add3A = arith.addi %mul3A_0, %arg0 : i32
    %dma_start3A = arith.constant 0 : i32
    %dma_start3A_1 = arith.constant 0 : i32
    %dma_start3A_2 = tpu.memref_slice %arg2[%add3A, %dma_start3A, %dma_start3A_1] : memref<32x4x1000xf32, #tpu.memory_space<hbm>> -> memref<1x1x1000xf32, #tpu.memory_space<hbm>>
    %dma_start3A_3 = tpu.memref_squeeze %dma_start3A_2 : memref<1x1x1000xf32, #tpu.memory_space<hbm>> -> memref<1000xf32, #tpu.memory_space<hbm>>
    %dma_start3A_4 = arith.constant 0 : i32
    %dma_start3A_5 = tpu.memref_slice %arg2[%add3A, %dma_start3A, %dma_start3A_4] : memref<32x4x1000xf32, #tpu.memory_space<hbm>> -> memref<1x1x1000xf32, #tpu.memory_space<hbm>>
    %dma_start3A_6 = tpu.memref_squeeze %dma_start3A_5 : memref<1x1x1000xf32, #tpu.memory_space<hbm>> -> memref<1000xf32, #tpu.memory_space<hbm>>
    tpu.enqueue_dma source(%dma_start3A_6 : memref<1000xf32, #tpu.memory_space<hbm>>) target(%arg10 : memref<1000xf32, #tpu.memory_space<vmem>>) target_semaphore(%arg20 : memref<!tpu.dma_semaphore, #tpu.memory_space<semaphore_mem>>)
    %dma_start3A_7 = arith.constant 1 : i32
    %dma_start3A_8 = arith.constant 0 : i32
    %dma_start3A_9 = tpu.memref_slice %arg2[%add3A, %dma_start3A_7, %dma_start3A_8] : memref<32x4x1000xf32, #tpu.memory_space<hbm>> -> memref<1x1x1000xf32, #tpu.memory_space<hbm>>
    %dma_start3A_10 = tpu.memref_squeeze %dma_start3A_9 : memref<1x1x1000xf32, #tpu.memory_space<hbm>> -> memref<1000xf32, #tpu.memory_space<hbm>>
    %dma_start3A_11 = arith.constant 0 : i32
    %dma_start3A_12 = tpu.memref_slice %arg2[%add3A, %dma_start3A_7, %dma_start3A_11] : memref<32x4x1000xf32, #tpu.memory_space<hbm>> -> memref<1x1x1000xf32, #tpu.memory_space<hbm>>
    %dma_start3A_13 = tpu.memref_squeeze %dma_start3A_12 : memref<1x1x1000xf32, #tpu.memory_space<hbm>> -> memref<1000xf32, #tpu.memory_space<hbm>>
    tpu.enqueue_dma source(%dma_start3A_13 : memref<1000xf32, #tpu.memory_space<hbm>>) target(%arg11 : memref<1000xf32, #tpu.memory_space<vmem>>) target_semaphore(%arg20 : memref<!tpu.dma_semaphore, #tpu.memory_space<semaphore_mem>>)
    %dma_start3A_14 = arith.constant 2 : i32
    %dma_start3A_15 = arith.constant 0 : i32
    %dma_start3A_16 = tpu.memref_slice %arg2[%add3A, %dma_start3A_14, %dma_start3A_15] : memref<32x4x1000xf32, #tpu.memory_space<hbm>> -> memref<1x1x1000xf32, #tpu.memory_space<hbm>>
    %dma_start3A_17 = tpu.memref_squeeze %dma_start3A_16 : memref<1x1x1000xf32, #tpu.memory_space<hbm>> -> memref<1000xf32, #tpu.memory_space<hbm>>
    %dma_start3A_18 = arith.constant 0 : i32
    %dma_start3A_19 = tpu.memref_slice %arg2[%add3A, %dma_start3A_14, %dma_start3A_18] : memref<32x4x1000xf32, #tpu.memory_space<hbm>> -> memref<1x1x1000xf32, #tpu.memory_space<hbm>>
    %dma_start3A_20 = tpu.memref_squeeze %dma_start3A_19 : memref<1x1x1000xf32, #tpu.memory_space<hbm>> -> memref<1000xf32, #tpu.memory_space<hbm>>
    tpu.enqueue_dma source(%dma_start3A_20 : memref<1000xf32, #tpu.memory_space<hbm>>) target(%arg12 : memref<1000xf32, #tpu.memory_space<vmem>>) target_semaphore(%arg20 : memref<!tpu.dma_semaphore, #tpu.memory_space<semaphore_mem>>)
    %dma_start3A_21 = arith.constant 3 : i32
    %dma_start3A_22 = arith.constant 0 : i32
    %dma_start3A_23 = tpu.memref_slice %arg2[%add3A, %dma_start3A_21, %dma_start3A_22] : memref<32x4x1000xf32, #tpu.memory_space<hbm>> -> memref<1x1x1000xf32, #tpu.memory_space<hbm>>
    %dma_start3A_24 = tpu.memref_squeeze %dma_start3A_23 : memref<1x1x1000xf32, #tpu.memory_space<hbm>> -> memref<1000xf32, #tpu.memory_space<hbm>>
    %dma_start3A_25 = arith.constant 0 : i32
    %dma_start3A_26 = tpu.memref_slice %arg2[%add3A, %dma_start3A_21, %dma_start3A_25] : memref<32x4x1000xf32, #tpu.memory_space<hbm>> -> memref<1x1x1000xf32, #tpu.memory_space<hbm>>
    %dma_start3A_27 = tpu.memref_squeeze %dma_start3A_26 : memref<1x1x1000xf32, #tpu.memory_space<hbm>> -> memref<1000xf32, #tpu.memory_space<hbm>>
    tpu.enqueue_dma source(%dma_start3A_27 : memref<1000xf32, #tpu.memory_space<hbm>>) target(%arg13 : memref<1000xf32, #tpu.memory_space<vmem>>) target_semaphore(%arg20 : memref<!tpu.dma_semaphore, #tpu.memory_space<semaphore_mem>>)
    %dma_start3A_28 = arith.constant 0 : i32
    %dma_start3A_29 = tpu.memref_slice %arg5[%add3A, %dma_start3A_28] : memref<32x1000xi32, #tpu.memory_space<hbm>> -> memref<1x1000xi32, #tpu.memory_space<hbm>>
    %dma_start3A_30 = tpu.memref_squeeze %dma_start3A_29 : memref<1x1000xi32, #tpu.memory_space<hbm>> -> memref<1000xi32, #tpu.memory_space<hbm>>
    %dma_start3A_31 = arith.constant 0 : i32
    %dma_start3A_32 = tpu.memref_slice %arg5[%add3A, %dma_start3A_31] : memref<32x1000xi32, #tpu.memory_space<hbm>> -> memref<1x1000xi32, #tpu.memory_space<hbm>>
    %dma_start3A_33 = tpu.memref_squeeze %dma_start3A_32 : memref<1x1000xi32, #tpu.memory_space<hbm>> -> memref<1000xi32, #tpu.memory_space<hbm>>
    tpu.enqueue_dma source(%dma_start3A_33 : memref<1000xi32, #tpu.memory_space<hbm>>) target(%arg14 : memref<1000xi32, #tpu.memory_space<vmem>>) target_semaphore(%arg20 : memref<!tpu.dma_semaphore, #tpu.memory_space<semaphore_mem>>)
    %dma_start3A_34 = arith.constant 0 : i32
    %dma_start3A_35 = tpu.memref_slice %arg6[%add3A, %dma_start3A_34] : memref<32x1000xi32, #tpu.memory_space<hbm>> -> memref<1x1000xi32, #tpu.memory_space<hbm>>
    %dma_start3A_36 = tpu.memref_squeeze %dma_start3A_35 : memref<1x1000xi32, #tpu.memory_space<hbm>> -> memref<1000xi32, #tpu.memory_space<hbm>>
    %dma_start3A_37 = arith.constant 0 : i32
    %dma_start3A_38 = tpu.memref_slice %arg6[%add3A, %dma_start3A_37] : memref<32x1000xi32, #tpu.memory_space<hbm>> -> memref<1x1000xi32, #tpu.memory_space<hbm>>
    %dma_start3A_39 = tpu.memref_squeeze %dma_start3A_38 : memref<1x1000xi32, #tpu.memory_space<hbm>> -> memref<1000xi32, #tpu.memory_space<hbm>>
    tpu.enqueue_dma source(%dma_start3A_39 : memref<1000xi32, #tpu.memory_space<hbm>>) target(%arg15 : memref<1000xi32, #tpu.memory_space<vmem>>) target_semaphore(%arg20 : memref<!tpu.dma_semaphore, #tpu.memory_space<semaphore_mem>>)
    %dma_start3A_40 = arith.constant 4 : i32
    %dma_start3A_41 = arith.constant 0 : i32
    %dma_start3A_42 = tpu.memref_slice %arg16[%dma_start3A_41] : memref<768xf32, #tpu.memory_space<vmem>> -> memref<128xf32, #tpu.memory_space<vmem>>
    %dma_start3A_43 = arith.constant 0 : i32
    %dma_start3A_44 = tpu.memref_slice %arg3[%dma_start3A_40, %add3A, %dma_start3A_43] : memref<5x32x128xf32, #tpu.memory_space<hbm>> -> memref<1x1x128xf32, #tpu.memory_space<hbm>>
    %dma_start3A_45 = tpu.memref_squeeze %dma_start3A_44 : memref<1x1x128xf32, #tpu.memory_space<hbm>> -> memref<128xf32, #tpu.memory_space<hbm>>
    %dma_start3A_46 = arith.constant 0 : i32
    %dma_start3A_47 = tpu.memref_slice %arg16[%dma_start3A_46] : memref<768xf32, #tpu.memory_space<vmem>> -> memref<128xf32, #tpu.memory_space<vmem>>
    %dma_start3A_48 = arith.constant 0 : i32
    %dma_start3A_49 = tpu.memref_slice %arg3[%dma_start3A_40, %add3A, %dma_start3A_48] : memref<5x32x128xf32, #tpu.memory_space<hbm>> -> memref<1x1x128xf32, #tpu.memory_space<hbm>>
    %dma_start3A_50 = tpu.memref_squeeze %dma_start3A_49 : memref<1x1x128xf32, #tpu.memory_space<hbm>> -> memref<128xf32, #tpu.memory_space<hbm>>
    tpu.enqueue_dma source(%dma_start3A_50 : memref<128xf32, #tpu.memory_space<hbm>>) target(%dma_start3A_47 : memref<128xf32, #tpu.memory_space<vmem>>) target_semaphore(%arg20 : memref<!tpu.dma_semaphore, #tpu.memory_space<semaphore_mem>>)
    %dma_start3A_51 = arith.constant 0 : i32
    %dma_start3A_52 = arith.constant 128 : i32
    %dma_start3A_53 = tpu.memref_slice %arg16[%dma_start3A_52] : memref<768xf32, #tpu.memory_space<vmem>> -> memref<128xf32, #tpu.memory_space<vmem>>
    %dma_start3A_54 = arith.constant 0 : i32
    %dma_start3A_55 = tpu.memref_slice %arg4[%dma_start3A_51, %add3A, %dma_start3A_54] : memref<9x32x128xf32, #tpu.memory_space<hbm>> -> memref<1x1x128xf32, #tpu.memory_space<hbm>>
    %dma_start3A_56 = tpu.memref_squeeze %dma_start3A_55 : memref<1x1x128xf32, #tpu.memory_space<hbm>> -> memref<128xf32, #tpu.memory_space<hbm>>
    %dma_start3A_57 = arith.constant 128 : i32
    %dma_start3A_58 = tpu.memref_slice %arg16[%dma_start3A_57] : memref<768xf32, #tpu.memory_space<vmem>> -> memref<128xf32, #tpu.memory_space<vmem>>
    %dma_start3A_59 = arith.constant 0 : i32
    %dma_start3A_60 = tpu.memref_slice %arg4[%dma_start3A_51, %add3A, %dma_start3A_59] : memref<9x32x128xf32, #tpu.memory_space<hbm>> -> memref<1x1x128xf32, #tpu.memory_space<hbm>>
    %dma_start3A_61 = tpu.memref_squeeze %dma_start3A_60 : memref<1x1x128xf32, #tpu.memory_space<hbm>> -> memref<128xf32, #tpu.memory_space<hbm>>
    tpu.enqueue_dma source(%dma_start3A_61 : memref<128xf32, #tpu.memory_space<hbm>>) target(%dma_start3A_58 : memref<128xf32, #tpu.memory_space<vmem>>) target_semaphore(%arg20 : memref<!tpu.dma_semaphore, #tpu.memory_space<semaphore_mem>>)
    %dma_start3A_62 = arith.constant 1 : i32
    %dma_start3A_63 = arith.constant 256 : i32
    %dma_start3A_64 = tpu.memref_slice %arg16[%dma_start3A_63] : memref<768xf32, #tpu.memory_space<vmem>> -> memref<128xf32, #tpu.memory_space<vmem>>
    %dma_start3A_65 = arith.constant 0 : i32
    %dma_start3A_66 = tpu.memref_slice %arg4[%dma_start3A_62, %add3A, %dma_start3A_65] : memref<9x32x128xf32, #tpu.memory_space<hbm>> -> memref<1x1x128xf32, #tpu.memory_space<hbm>>
    %dma_start3A_67 = tpu.memref_squeeze %dma_start3A_66 : memref<1x1x128xf32, #tpu.memory_space<hbm>> -> memref<128xf32, #tpu.memory_space<hbm>>
    %dma_start3A_68 = arith.constant 256 : i32
    %dma_start3A_69 = tpu.memref_slice %arg16[%dma_start3A_68] : memref<768xf32, #tpu.memory_space<vmem>> -> memref<128xf32, #tpu.memory_space<vmem>>
    %dma_start3A_70 = arith.constant 0 : i32
    %dma_start3A_71 = tpu.memref_slice %arg4[%dma_start3A_62, %add3A, %dma_start3A_70] : memref<9x32x128xf32, #tpu.memory_space<hbm>> -> memref<1x1x128xf32, #tpu.memory_space<hbm>>
    %dma_start3A_72 = tpu.memref_squeeze %dma_start3A_71 : memref<1x1x128xf32, #tpu.memory_space<hbm>> -> memref<128xf32, #tpu.memory_space<hbm>>
    tpu.enqueue_dma source(%dma_start3A_72 : memref<128xf32, #tpu.memory_space<hbm>>) target(%dma_start3A_69 : memref<128xf32, #tpu.memory_space<vmem>>) target_semaphore(%arg20 : memref<!tpu.dma_semaphore, #tpu.memory_space<semaphore_mem>>)
    %dma_start3A_73 = arith.constant 2 : i32
    %dma_start3A_74 = arith.constant 384 : i32
    %dma_start3A_75 = tpu.memref_slice %arg16[%dma_start3A_74] : memref<768xf32, #tpu.memory_space<vmem>> -> memref<128xf32, #tpu.memory_space<vmem>>
    %dma_start3A_76 = arith.constant 0 : i32
    %dma_start3A_77 = tpu.memref_slice %arg4[%dma_start3A_73, %add3A, %dma_start3A_76] : memref<9x32x128xf32, #tpu.memory_space<hbm>> -> memref<1x1x128xf32, #tpu.memory_space<hbm>>
    %dma_start3A_78 = tpu.memref_squeeze %dma_start3A_77 : memref<1x1x128xf32, #tpu.memory_space<hbm>> -> memref<128xf32, #tpu.memory_space<hbm>>
    %dma_start3A_79 = arith.constant 384 : i32
    %dma_start3A_80 = tpu.memref_slice %arg16[%dma_start3A_79] : memref<768xf32, #tpu.memory_space<vmem>> -> memref<128xf32, #tpu.memory_space<vmem>>
    %dma_start3A_81 = arith.constant 0 : i32
    %dma_start3A_82 = tpu.memref_slice %arg4[%dma_start3A_73, %add3A, %dma_start3A_81] : memref<9x32x128xf32, #tpu.memory_space<hbm>> -> memref<1x1x128xf32, #tpu.memory_space<hbm>>
    %dma_start3A_83 = tpu.memref_squeeze %dma_start3A_82 : memref<1x1x128xf32, #tpu.memory_space<hbm>> -> memref<128xf32, #tpu.memory_space<hbm>>
    tpu.enqueue_dma source(%dma_start3A_83 : memref<128xf32, #tpu.memory_space<hbm>>) target(%dma_start3A_80 : memref<128xf32, #tpu.memory_space<vmem>>) target_semaphore(%arg20 : memref<!tpu.dma_semaphore, #tpu.memory_space<semaphore_mem>>)
    %dma_start3A_84 = arith.constant 3 : i32
    %dma_start3A_85 = arith.constant 512 : i32
    %dma_start3A_86 = tpu.memref_slice %arg16[%dma_start3A_85] : memref<768xf32, #tpu.memory_space<vmem>> -> memref<128xf32, #tpu.memory_space<vmem>>
    %dma_start3A_87 = arith.constant 0 : i32
    %dma_start3A_88 = tpu.memref_slice %arg4[%dma_start3A_84, %add3A, %dma_start3A_87] : memref<9x32x128xf32, #tpu.memory_space<hbm>> -> memref<1x1x128xf32, #tpu.memory_space<hbm>>
    %dma_start3A_89 = tpu.memref_squeeze %dma_start3A_88 : memref<1x1x128xf32, #tpu.memory_space<hbm>> -> memref<128xf32, #tpu.memory_space<hbm>>
    %dma_start3A_90 = arith.constant 512 : i32
    %dma_start3A_91 = tpu.memref_slice %arg16[%dma_start3A_90] : memref<768xf32, #tpu.memory_space<vmem>> -> memref<128xf32, #tpu.memory_space<vmem>>
    %dma_start3A_92 = arith.constant 0 : i32
    %dma_start3A_93 = tpu.memref_slice %arg4[%dma_start3A_84, %add3A, %dma_start3A_92] : memref<9x32x128xf32, #tpu.memory_space<hbm>> -> memref<1x1x128xf32, #tpu.memory_space<hbm>>
    %dma_start3A_94 = tpu.memref_squeeze %dma_start3A_93 : memref<1x1x128xf32, #tpu.memory_space<hbm>> -> memref<128xf32, #tpu.memory_space<hbm>>
    tpu.enqueue_dma source(%dma_start3A_94 : memref<128xf32, #tpu.memory_space<hbm>>) target(%dma_start3A_91 : memref<128xf32, #tpu.memory_space<vmem>>) target_semaphore(%arg20 : memref<!tpu.dma_semaphore, #tpu.memory_space<semaphore_mem>>)
    %dma_start3A_95 = arith.constant 8 : i32
    %dma_start3A_96 = arith.constant 640 : i32
    %dma_start3A_97 = tpu.memref_slice %arg16[%dma_start3A_96] : memref<768xf32, #tpu.memory_space<vmem>> -> memref<128xf32, #tpu.memory_space<vmem>>
    %dma_start3A_98 = arith.constant 0 : i32
    %dma_start3A_99 = tpu.memref_slice %arg4[%dma_start3A_95, %add3A, %dma_start3A_98] : memref<9x32x128xf32, #tpu.memory_space<hbm>> -> memref<1x1x128xf32, #tpu.memory_space<hbm>>
    %dma_start3A_100 = tpu.memref_squeeze %dma_start3A_99 : memref<1x1x128xf32, #tpu.memory_space<hbm>> -> memref<128xf32, #tpu.memory_space<hbm>>
    %dma_start3A_101 = arith.constant 640 : i32
    %dma_start3A_102 = tpu.memref_slice %arg16[%dma_start3A_101] : memref<768xf32, #tpu.memory_space<vmem>> -> memref<128xf32, #tpu.memory_space<vmem>>
    %dma_start3A_103 = arith.constant 0 : i32
    %dma_start3A_104 = tpu.memref_slice %arg4[%dma_start3A_95, %add3A, %dma_start3A_103] : memref<9x32x128xf32, #tpu.memory_space<hbm>> -> memref<1x1x128xf32, #tpu.memory_space<hbm>>
    %dma_start3A_105 = tpu.memref_squeeze %dma_start3A_104 : memref<1x1x128xf32, #tpu.memory_space<hbm>> -> memref<128xf32, #tpu.memory_space<hbm>>
    tpu.enqueue_dma source(%dma_start3A_105 : memref<128xf32, #tpu.memory_space<hbm>>) target(%dma_start3A_102 : memref<128xf32, #tpu.memory_space<vmem>>) target_semaphore(%arg20 : memref<!tpu.dma_semaphore, #tpu.memory_space<semaphore_mem>>)
    %dma_wait3A = arith.constant 0 : i32
    %dma_wait3A_106 = arith.constant 0 : i32
    %dma_wait3A_107 = tpu.memref_slice %arg2[%add3A, %dma_wait3A, %dma_wait3A_106] : memref<32x4x1000xf32, #tpu.memory_space<hbm>> -> memref<1x1x1000xf32, #tpu.memory_space<hbm>>
    %dma_wait3A_108 = tpu.memref_squeeze %dma_wait3A_107 : memref<1x1x1000xf32, #tpu.memory_space<hbm>> -> memref<1000xf32, #tpu.memory_space<hbm>>
    %dma_wait3A_109 = arith.constant 0 : i32
    %dma_wait3A_110 = tpu.memref_slice %arg2[%add3A, %dma_wait3A, %dma_wait3A_109] : memref<32x4x1000xf32, #tpu.memory_space<hbm>> -> memref<1x1x1000xf32, #tpu.memory_space<hbm>>
    %dma_wait3A_111 = tpu.memref_squeeze %dma_wait3A_110 : memref<1x1x1000xf32, #tpu.memory_space<hbm>> -> memref<1000xf32, #tpu.memory_space<hbm>>
    tpu.wait_dma2 semaphore(%arg20 : memref<!tpu.dma_semaphore, #tpu.memory_space<semaphore_mem>>) src(%dma_wait3A_111 : memref<1000xf32, #tpu.memory_space<hbm>>) dst(%arg10 : memref<1000xf32, #tpu.memory_space<vmem>>)
    %dma_wait3A_112 = arith.constant 1 : i32
    %dma_wait3A_113 = arith.constant 0 : i32
    %dma_wait3A_114 = tpu.memref_slice %arg2[%add3A, %dma_wait3A_112, %dma_wait3A_113] : memref<32x4x1000xf32, #tpu.memory_space<hbm>> -> memref<1x1x1000xf32, #tpu.memory_space<hbm>>
    %dma_wait3A_115 = tpu.memref_squeeze %dma_wait3A_114 : memref<1x1x1000xf32, #tpu.memory_space<hbm>> -> memref<1000xf32, #tpu.memory_space<hbm>>
    %dma_wait3A_116 = arith.constant 0 : i32
    %dma_wait3A_117 = tpu.memref_slice %arg2[%add3A, %dma_wait3A_112, %dma_wait3A_116] : memref<32x4x1000xf32, #tpu.memory_space<hbm>> -> memref<1x1x1000xf32, #tpu.memory_space<hbm>>
    %dma_wait3A_118 = tpu.memref_squeeze %dma_wait3A_117 : memref<1x1x1000xf32, #tpu.memory_space<hbm>> -> memref<1000xf32, #tpu.memory_space<hbm>>
    tpu.wait_dma2 semaphore(%arg20 : memref<!tpu.dma_semaphore, #tpu.memory_space<semaphore_mem>>) src(%dma_wait3A_118 : memref<1000xf32, #tpu.memory_space<hbm>>) dst(%arg11 : memref<1000xf32, #tpu.memory_space<vmem>>)
    %dma_wait3A_119 = arith.constant 2 : i32
    %dma_wait3A_120 = arith.constant 0 : i32
    %dma_wait3A_121 = tpu.memref_slice %arg2[%add3A, %dma_wait3A_119, %dma_wait3A_120] : memref<32x4x1000xf32, #tpu.memory_space<hbm>> -> memref<1x1x1000xf32, #tpu.memory_space<hbm>>
    %dma_wait3A_122 = tpu.memref_squeeze %dma_wait3A_121 : memref<1x1x1000xf32, #tpu.memory_space<hbm>> -> memref<1000xf32, #tpu.memory_space<hbm>>
    %dma_wait3A_123 = arith.constant 0 : i32
    %dma_wait3A_124 = tpu.memref_slice %arg2[%add3A, %dma_wait3A_119, %dma_wait3A_123] : memref<32x4x1000xf32, #tpu.memory_space<hbm>> -> memref<1x1x1000xf32, #tpu.memory_space<hbm>>
    %dma_wait3A_125 = tpu.memref_squeeze %dma_wait3A_124 : memref<1x1x1000xf32, #tpu.memory_space<hbm>> -> memref<1000xf32, #tpu.memory_space<hbm>>
    tpu.wait_dma2 semaphore(%arg20 : memref<!tpu.dma_semaphore, #tpu.memory_space<semaphore_mem>>) src(%dma_wait3A_125 : memref<1000xf32, #tpu.memory_space<hbm>>) dst(%arg12 : memref<1000xf32, #tpu.memory_space<vmem>>)
    %dma_wait3A_126 = arith.constant 3 : i32
    %dma_wait3A_127 = arith.constant 0 : i32
    %dma_wait3A_128 = tpu.memref_slice %arg2[%add3A, %dma_wait3A_126, %dma_wait3A_127] : memref<32x4x1000xf32, #tpu.memory_space<hbm>> -> memref<1x1x1000xf32, #tpu.memory_space<hbm>>
    %dma_wait3A_129 = tpu.memref_squeeze %dma_wait3A_128 : memref<1x1x1000xf32, #tpu.memory_space<hbm>> -> memref<1000xf32, #tpu.memory_space<hbm>>
    %dma_wait3A_130 = arith.constant 0 : i32
    %dma_wait3A_131 = tpu.memref_slice %arg2[%add3A, %dma_wait3A_126, %dma_wait3A_130] : memref<32x4x1000xf32, #tpu.memory_space<hbm>> -> memref<1x1x1000xf32, #tpu.memory_space<hbm>>
    %dma_wait3A_132 = tpu.memref_squeeze %dma_wait3A_131 : memref<1x1x1000xf32, #tpu.memory_space<hbm>> -> memref<1000xf32, #tpu.memory_space<hbm>>
    tpu.wait_dma2 semaphore(%arg20 : memref<!tpu.dma_semaphore, #tpu.memory_space<semaphore_mem>>) src(%dma_wait3A_132 : memref<1000xf32, #tpu.memory_space<hbm>>) dst(%arg13 : memref<1000xf32, #tpu.memory_space<vmem>>)
    %dma_wait3A_133 = arith.constant 0 : i32
    %dma_wait3A_134 = tpu.memref_slice %arg5[%add3A, %dma_wait3A_133] : memref<32x1000xi32, #tpu.memory_space<hbm>> -> memref<1x1000xi32, #tpu.memory_space<hbm>>
    %dma_wait3A_135 = tpu.memref_squeeze %dma_wait3A_134 : memref<1x1000xi32, #tpu.memory_space<hbm>> -> memref<1000xi32, #tpu.memory_space<hbm>>
    %dma_wait3A_136 = arith.constant 0 : i32
    %dma_wait3A_137 = tpu.memref_slice %arg5[%add3A, %dma_wait3A_136] : memref<32x1000xi32, #tpu.memory_space<hbm>> -> memref<1x1000xi32, #tpu.memory_space<hbm>>
    %dma_wait3A_138 = tpu.memref_squeeze %dma_wait3A_137 : memref<1x1000xi32, #tpu.memory_space<hbm>> -> memref<1000xi32, #tpu.memory_space<hbm>>
    tpu.wait_dma2 semaphore(%arg20 : memref<!tpu.dma_semaphore, #tpu.memory_space<semaphore_mem>>) src(%dma_wait3A_138 : memref<1000xi32, #tpu.memory_space<hbm>>) dst(%arg14 : memref<1000xi32, #tpu.memory_space<vmem>>)
    %dma_wait3A_139 = arith.constant 0 : i32
    %dma_wait3A_140 = tpu.memref_slice %arg6[%add3A, %dma_wait3A_139] : memref<32x1000xi32, #tpu.memory_space<hbm>> -> memref<1x1000xi32, #tpu.memory_space<hbm>>
    %dma_wait3A_141 = tpu.memref_squeeze %dma_wait3A_140 : memref<1x1000xi32, #tpu.memory_space<hbm>> -> memref<1000xi32, #tpu.memory_space<hbm>>
    %dma_wait3A_142 = arith.constant 0 : i32
    %dma_wait3A_143 = tpu.memref_slice %arg6[%add3A, %dma_wait3A_142] : memref<32x1000xi32, #tpu.memory_space<hbm>> -> memref<1x1000xi32, #tpu.memory_space<hbm>>
    %dma_wait3A_144 = tpu.memref_squeeze %dma_wait3A_143 : memref<1x1000xi32, #tpu.memory_space<hbm>> -> memref<1000xi32, #tpu.memory_space<hbm>>
    tpu.wait_dma2 semaphore(%arg20 : memref<!tpu.dma_semaphore, #tpu.memory_space<semaphore_mem>>) src(%dma_wait3A_144 : memref<1000xi32, #tpu.memory_space<hbm>>) dst(%arg15 : memref<1000xi32, #tpu.memory_space<vmem>>)
    %dma_wait3A_145 = arith.constant 4 : i32
    %dma_wait3A_146 = arith.constant 0 : i32
    %dma_wait3A_147 = tpu.memref_slice %arg16[%dma_wait3A_146] : memref<768xf32, #tpu.memory_space<vmem>> -> memref<128xf32, #tpu.memory_space<vmem>>
    %dma_wait3A_148 = arith.constant 0 : i32
    %dma_wait3A_149 = tpu.memref_slice %arg3[%dma_wait3A_145, %add3A, %dma_wait3A_148] : memref<5x32x128xf32, #tpu.memory_space<hbm>> -> memref<1x1x128xf32, #tpu.memory_space<hbm>>
    %dma_wait3A_150 = tpu.memref_squeeze %dma_wait3A_149 : memref<1x1x128xf32, #tpu.memory_space<hbm>> -> memref<128xf32, #tpu.memory_space<hbm>>
    %dma_wait3A_151 = arith.constant 0 : i32
    %dma_wait3A_152 = tpu.memref_slice %arg16[%dma_wait3A_151] : memref<768xf32, #tpu.memory_space<vmem>> -> memref<128xf32, #tpu.memory_space<vmem>>
    %dma_wait3A_153 = arith.constant 0 : i32
    %dma_wait3A_154 = tpu.memref_slice %arg3[%dma_wait3A_145, %add3A, %dma_wait3A_153] : memref<5x32x128xf32, #tpu.memory_space<hbm>> -> memref<1x1x128xf32, #tpu.memory_space<hbm>>
    %dma_wait3A_155 = tpu.memref_squeeze %dma_wait3A_154 : memref<1x1x128xf32, #tpu.memory_space<hbm>> -> memref<128xf32, #tpu.memory_space<hbm>>
    tpu.wait_dma2 semaphore(%arg20 : memref<!tpu.dma_semaphore, #tpu.memory_space<semaphore_mem>>) src(%dma_wait3A_155 : memref<128xf32, #tpu.memory_space<hbm>>) dst(%dma_wait3A_152 : memref<128xf32, #tpu.memory_space<vmem>>)
    %dma_wait3A_156 = arith.constant 0 : i32
    %dma_wait3A_157 = arith.constant 128 : i32
    %dma_wait3A_158 = tpu.memref_slice %arg16[%dma_wait3A_157] : memref<768xf32, #tpu.memory_space<vmem>> -> memref<128xf32, #tpu.memory_space<vmem>>
    %dma_wait3A_159 = arith.constant 0 : i32
    %dma_wait3A_160 = tpu.memref_slice %arg4[%dma_wait3A_156, %add3A, %dma_wait3A_159] : memref<9x32x128xf32, #tpu.memory_space<hbm>> -> memref<1x1x128xf32, #tpu.memory_space<hbm>>
    %dma_wait3A_161 = tpu.memref_squeeze %dma_wait3A_160 : memref<1x1x128xf32, #tpu.memory_space<hbm>> -> memref<128xf32, #tpu.memory_space<hbm>>
    %dma_wait3A_162 = arith.constant 128 : i32
    %dma_wait3A_163 = tpu.memref_slice %arg16[%dma_wait3A_162] : memref<768xf32, #tpu.memory_space<vmem>> -> memref<128xf32, #tpu.memory_space<vmem>>
    %dma_wait3A_164 = arith.constant 0 : i32
    %dma_wait3A_165 = tpu.memref_slice %arg4[%dma_wait3A_156, %add3A, %dma_wait3A_164] : memref<9x32x128xf32, #tpu.memory_space<hbm>> -> memref<1x1x128xf32, #tpu.memory_space<hbm>>
    %dma_wait3A_166 = tpu.memref_squeeze %dma_wait3A_165 : memref<1x1x128xf32, #tpu.memory_space<hbm>> -> memref<128xf32, #tpu.memory_space<hbm>>
    tpu.wait_dma2 semaphore(%arg20 : memref<!tpu.dma_semaphore, #tpu.memory_space<semaphore_mem>>) src(%dma_wait3A_166 : memref<128xf32, #tpu.memory_space<hbm>>) dst(%dma_wait3A_163 : memref<128xf32, #tpu.memory_space<vmem>>)
    %dma_wait3A_167 = arith.constant 1 : i32
    %dma_wait3A_168 = arith.constant 256 : i32
    %dma_wait3A_169 = tpu.memref_slice %arg16[%dma_wait3A_168] : memref<768xf32, #tpu.memory_space<vmem>> -> memref<128xf32, #tpu.memory_space<vmem>>
    %dma_wait3A_170 = arith.constant 0 : i32
    %dma_wait3A_171 = tpu.memref_slice %arg4[%dma_wait3A_167, %add3A, %dma_wait3A_170] : memref<9x32x128xf32, #tpu.memory_space<hbm>> -> memref<1x1x128xf32, #tpu.memory_space<hbm>>
    %dma_wait3A_172 = tpu.memref_squeeze %dma_wait3A_171 : memref<1x1x128xf32, #tpu.memory_space<hbm>> -> memref<128xf32, #tpu.memory_space<hbm>>
    %dma_wait3A_173 = arith.constant 256 : i32
    %dma_wait3A_174 = tpu.memref_slice %arg16[%dma_wait3A_173] : memref<768xf32, #tpu.memory_space<vmem>> -> memref<128xf32, #tpu.memory_space<vmem>>
    %dma_wait3A_175 = arith.constant 0 : i32
    %dma_wait3A_176 = tpu.memref_slice %arg4[%dma_wait3A_167, %add3A, %dma_wait3A_175] : memref<9x32x128xf32, #tpu.memory_space<hbm>> -> memref<1x1x128xf32, #tpu.memory_space<hbm>>
    %dma_wait3A_177 = tpu.memref_squeeze %dma_wait3A_176 : memref<1x1x128xf32, #tpu.memory_space<hbm>> -> memref<128xf32, #tpu.memory_space<hbm>>
    tpu.wait_dma2 semaphore(%arg20 : memref<!tpu.dma_semaphore, #tpu.memory_space<semaphore_mem>>) src(%dma_wait3A_177 : memref<128xf32, #tpu.memory_space<hbm>>) dst(%dma_wait3A_174 : memref<128xf32, #tpu.memory_space<vmem>>)
    %dma_wait3A_178 = arith.constant 2 : i32
    %dma_wait3A_179 = arith.constant 384 : i32
    %dma_wait3A_180 = tpu.memref_slice %arg16[%dma_wait3A_179] : memref<768xf32, #tpu.memory_space<vmem>> -> memref<128xf32, #tpu.memory_space<vmem>>
    %dma_wait3A_181 = arith.constant 0 : i32
    %dma_wait3A_182 = tpu.memref_slice %arg4[%dma_wait3A_178, %add3A, %dma_wait3A_181] : memref<9x32x128xf32, #tpu.memory_space<hbm>> -> memref<1x1x128xf32, #tpu.memory_space<hbm>>
    %dma_wait3A_183 = tpu.memref_squeeze %dma_wait3A_182 : memref<1x1x128xf32, #tpu.memory_space<hbm>> -> memref<128xf32, #tpu.memory_space<hbm>>
    %dma_wait3A_184 = arith.constant 384 : i32
    %dma_wait3A_185 = tpu.memref_slice %arg16[%dma_wait3A_184] : memref<768xf32, #tpu.memory_space<vmem>> -> memref<128xf32, #tpu.memory_space<vmem>>
    %dma_wait3A_186 = arith.constant 0 : i32
    %dma_wait3A_187 = tpu.memref_slice %arg4[%dma_wait3A_178, %add3A, %dma_wait3A_186] : memref<9x32x128xf32, #tpu.memory_space<hbm>> -> memref<1x1x128xf32, #tpu.memory_space<hbm>>
    %dma_wait3A_188 = tpu.memref_squeeze %dma_wait3A_187 : memref<1x1x128xf32, #tpu.memory_space<hbm>> -> memref<128xf32, #tpu.memory_space<hbm>>
    tpu.wait_dma2 semaphore(%arg20 : memref<!tpu.dma_semaphore, #tpu.memory_space<semaphore_mem>>) src(%dma_wait3A_188 : memref<128xf32, #tpu.memory_space<hbm>>) dst(%dma_wait3A_185 : memref<128xf32, #tpu.memory_space<vmem>>)
    %dma_wait3A_189 = arith.constant 3 : i32
    %dma_wait3A_190 = arith.constant 512 : i32
    %dma_wait3A_191 = tpu.memref_slice %arg16[%dma_wait3A_190] : memref<768xf32, #tpu.memory_space<vmem>> -> memref<128xf32, #tpu.memory_space<vmem>>
    %dma_wait3A_192 = arith.constant 0 : i32
    %dma_wait3A_193 = tpu.memref_slice %arg4[%dma_wait3A_189, %add3A, %dma_wait3A_192] : memref<9x32x128xf32, #tpu.memory_space<hbm>> -> memref<1x1x128xf32, #tpu.memory_space<hbm>>
    %dma_wait3A_194 = tpu.memref_squeeze %dma_wait3A_193 : memref<1x1x128xf32, #tpu.memory_space<hbm>> -> memref<128xf32, #tpu.memory_space<hbm>>
    %dma_wait3A_195 = arith.constant 512 : i32
    %dma_wait3A_196 = tpu.memref_slice %arg16[%dma_wait3A_195] : memref<768xf32, #tpu.memory_space<vmem>> -> memref<128xf32, #tpu.memory_space<vmem>>
    %dma_wait3A_197 = arith.constant 0 : i32
    %dma_wait3A_198 = tpu.memref_slice %arg4[%dma_wait3A_189, %add3A, %dma_wait3A_197] : memref<9x32x128xf32, #tpu.memory_space<hbm>> -> memref<1x1x128xf32, #tpu.memory_space<hbm>>
    %dma_wait3A_199 = tpu.memref_squeeze %dma_wait3A_198 : memref<1x1x128xf32, #tpu.memory_space<hbm>> -> memref<128xf32, #tpu.memory_space<hbm>>
    tpu.wait_dma2 semaphore(%arg20 : memref<!tpu.dma_semaphore, #tpu.memory_space<semaphore_mem>>) src(%dma_wait3A_199 : memref<128xf32, #tpu.memory_space<hbm>>) dst(%dma_wait3A_196 : memref<128xf32, #tpu.memory_space<vmem>>)
    %dma_wait3A_200 = arith.constant 8 : i32
    %dma_wait3A_201 = arith.constant 640 : i32
    %dma_wait3A_202 = tpu.memref_slice %arg16[%dma_wait3A_201] : memref<768xf32, #tpu.memory_space<vmem>> -> memref<128xf32, #tpu.memory_space<vmem>>
    %dma_wait3A_203 = arith.constant 0 : i32
    %dma_wait3A_204 = tpu.memref_slice %arg4[%dma_wait3A_200, %add3A, %dma_wait3A_203] : memref<9x32x128xf32, #tpu.memory_space<hbm>> -> memref<1x1x128xf32, #tpu.memory_space<hbm>>
    %dma_wait3A_205 = tpu.memref_squeeze %dma_wait3A_204 : memref<1x1x128xf32, #tpu.memory_space<hbm>> -> memref<128xf32, #tpu.memory_space<hbm>>
    %dma_wait3A_206 = arith.constant 640 : i32
    %dma_wait3A_207 = tpu.memref_slice %arg16[%dma_wait3A_206] : memref<768xf32, #tpu.memory_space<vmem>> -> memref<128xf32, #tpu.memory_space<vmem>>
    %dma_wait3A_208 = arith.constant 0 : i32
    %dma_wait3A_209 = tpu.memref_slice %arg4[%dma_wait3A_200, %add3A, %dma_wait3A_208] : memref<9x32x128xf32, #tpu.memory_space<hbm>> -> memref<1x1x128xf32, #tpu.memory_space<hbm>>
    %dma_wait3A_210 = tpu.memref_squeeze %dma_wait3A_209 : memref<1x1x128xf32, #tpu.memory_space<hbm>> -> memref<128xf32, #tpu.memory_space<hbm>>
    tpu.wait_dma2 semaphore(%arg20 : memref<!tpu.dma_semaphore, #tpu.memory_space<semaphore_mem>>) src(%dma_wait3A_210 : memref<128xf32, #tpu.memory_space<hbm>>) dst(%dma_wait3A_207 : memref<128xf32, #tpu.memory_space<vmem>>)
    %parallel_loop3A = arith.constant 0 : i32
    %parallel_loop3A_211 = arith.constant 992 : i32
    %parallel_loop3A_212 = arith.constant 16 : i32
    scf.for %parallel_loop3A_370 = %parallel_loop3A to %parallel_loop3A_211 step %parallel_loop3A_212  : i32 {
      %parallel_loop3A_371 = arith.index_cast %parallel_loop3A_370 : i32 to index
      %parallel_loop3A_372 = tpu.vector_load %arg14[%parallel_loop3A_371] {strides = array<i32>} : memref<1000xi32, #tpu.memory_space<vmem>>, vector<16xi32>,
      %parallel_loop3A_373 = arith.index_cast %parallel_loop3A_370 : i32 to index
      %parallel_loop3A_374 = tpu.vector_load %arg15[%parallel_loop3A_373] {strides = array<i32>} : memref<1000xi32, #tpu.memory_space<vmem>>, vector<16xi32>,
      %parallel_loop3A_375 = arith.index_cast %parallel_loop3A_370 : i32 to index
      %parallel_loop3A_376 = tpu.vector_load %arg10[%parallel_loop3A_375] {strides = array<i32>} : memref<1000xf32, #tpu.memory_space<vmem>>, vector<16xf32>,
      %parallel_loop3A_377 = arith.index_cast %parallel_loop3A_370 : i32 to index
      %parallel_loop3A_378 = tpu.vector_load %arg11[%parallel_loop3A_377] {strides = array<i32>} : memref<1000xf32, #tpu.memory_space<vmem>>, vector<16xf32>,
      %parallel_loop3A_379 = arith.index_cast %parallel_loop3A_370 : i32 to index
      %parallel_loop3A_380 = tpu.vector_load %arg12[%parallel_loop3A_379] {strides = array<i32>} : memref<1000xf32, #tpu.memory_space<vmem>>, vector<16xf32>,
      %parallel_loop3A_381 = arith.index_cast %parallel_loop3A_370 : i32 to index
      %parallel_loop3A_382 = tpu.vector_load %arg13[%parallel_loop3A_381] {strides = array<i32>} : memref<1000xf32, #tpu.memory_space<vmem>>, vector<16xf32>,
      %parallel_loop3A_383 = tpu.vector_load_idx %arg16[%parallel_loop3A_372] : memref<768xf32, #tpu.memory_space<vmem>>[vector<16xi32>], vector<16xf32>,
      %parallel_loop3A_384 = arith.constant 128 : i32
      %parallel_loop3A_385 = vector.broadcast %parallel_loop3A_384 : i32 to vector<16xi32>
      %parallel_loop3A_386 = arith.addi %parallel_loop3A_372, %parallel_loop3A_385 : vector<16xi32>
      %parallel_loop3A_387 = tpu.vector_load_idx %arg16[%parallel_loop3A_386] : memref<768xf32, #tpu.memory_space<vmem>>[vector<16xi32>], vector<16xf32>,
      %parallel_loop3A_388 = arith.constant 256 : i32
      %parallel_loop3A_389 = vector.broadcast %parallel_loop3A_388 : i32 to vector<16xi32>
      %parallel_loop3A_390 = arith.addi %parallel_loop3A_372, %parallel_loop3A_389 : vector<16xi32>
      %parallel_loop3A_391 = tpu.vector_load_idx %arg16[%parallel_loop3A_390] : memref<768xf32, #tpu.memory_space<vmem>>[vector<16xi32>], vector<16xf32>,
      %parallel_loop3A_392 = arith.constant 384 : i32
      %parallel_loop3A_393 = vector.broadcast %parallel_loop3A_392 : i32 to vector<16xi32>
      %parallel_loop3A_394 = arith.addi %parallel_loop3A_372, %parallel_loop3A_393 : vector<16xi32>
      %parallel_loop3A_395 = tpu.vector_load_idx %arg16[%parallel_loop3A_394] : memref<768xf32, #tpu.memory_space<vmem>>[vector<16xi32>], vector<16xf32>,
      %parallel_loop3A_396 = arith.constant 512 : i32
      %parallel_loop3A_397 = vector.broadcast %parallel_loop3A_396 : i32 to vector<16xi32>
      %parallel_loop3A_398 = arith.addi %parallel_loop3A_372, %parallel_loop3A_397 : vector<16xi32>
      %parallel_loop3A_399 = tpu.vector_load_idx %arg16[%parallel_loop3A_398] : memref<768xf32, #tpu.memory_space<vmem>>[vector<16xi32>], vector<16xf32>,
      %parallel_loop3A_400 = arith.constant 640 : i32
      %parallel_loop3A_401 = vector.broadcast %parallel_loop3A_400 : i32 to vector<16xi32>
      %parallel_loop3A_402 = arith.addi %parallel_loop3A_372, %parallel_loop3A_401 : vector<16xi32>
      %parallel_loop3A_403 = tpu.vector_load_idx %arg16[%parallel_loop3A_402] : memref<768xf32, #tpu.memory_space<vmem>>[vector<16xi32>], vector<16xf32>,
      %parallel_loop3A_404 = arith.constant 0 : i32
      %parallel_loop3A_405 = vector.broadcast %parallel_loop3A_404 : i32 to vector<16xi32>
      %parallel_loop3A_406 = arith.cmpi sgt, %parallel_loop3A_374, %parallel_loop3A_405 : vector<16xi32>
      %parallel_loop3A_407 = arith.constant 0.000000e+00 : f32
      %parallel_loop3A_408 = vector.broadcast %parallel_loop3A_407 : f32 to vector<16xf32>
      %parallel_loop3A_409 = arith.cmpf ogt, %parallel_loop3A_383, %parallel_loop3A_408 : vector<16xf32>
      %parallel_loop3A_410 = arith.andi %parallel_loop3A_406, %parallel_loop3A_409 : vector<16xi1>
      %parallel_loop3A_411 = arith.constant 0 : i32
      %parallel_loop3A_412 = vector.broadcast %parallel_loop3A_411 : i32 to vector<16xi32>
      %parallel_loop3A_413 = arith.cmpi eq, %parallel_loop3A_374, %parallel_loop3A_412 : vector<16xi32>
      %parallel_loop3A_414 = arith.constant 0.000000e+00 : f32
      %parallel_loop3A_415 = vector.broadcast %parallel_loop3A_414 : f32 to vector<16xf32>
      %parallel_loop3A_416 = arith.select %parallel_loop3A_413, %parallel_loop3A_415, %parallel_loop3A_403 : vector<16xi1>, vector<16xf32>
      %parallel_loop3A_417 = arith.constant 0 : i32
      %parallel_loop3A_418 = vector.broadcast %parallel_loop3A_417 : i32 to vector<16xi32>
      %parallel_loop3A_419 = arith.cmpi slt, %parallel_loop3A_374, %parallel_loop3A_418 : vector<16xi32>
      %parallel_loop3A_420 = arith.constant -1.000000e+00 : f32
      %parallel_loop3A_421 = vector.broadcast %parallel_loop3A_420 : f32 to vector<16xf32>
      %parallel_loop3A_422 = arith.select %parallel_loop3A_419, %parallel_loop3A_421, %parallel_loop3A_416 : vector<16xi1>, vector<16xf32>
      %parallel_loop3A_423 = arith.constant 0.000000e+00 : f32
      %parallel_loop3A_424 = vector.broadcast %parallel_loop3A_423 : f32 to vector<16xf32>
      %parallel_loop3A_425 = arith.cmpf oeq, %parallel_loop3A_383, %parallel_loop3A_424 : vector<16xf32>
      %parallel_loop3A_426 = arith.constant -1.000000e+00 : f32
      %parallel_loop3A_427 = vector.broadcast %parallel_loop3A_426 : f32 to vector<16xf32>
      %parallel_loop3A_428 = arith.select %parallel_loop3A_425, %parallel_loop3A_427, %parallel_loop3A_422 : vector<16xi1>, vector<16xf32>
      %parallel_loop3A_429 = arith.subf %parallel_loop3A_387, %parallel_loop3A_395 : vector<16xf32>
      %parallel_loop3A_430 = arith.subf %parallel_loop3A_391, %parallel_loop3A_399 : vector<16xf32>
      %parallel_loop3A_431 = arith.constant 0.000000e+00 : f32
      %parallel_loop3A_432 = vector.broadcast %parallel_loop3A_431 : f32 to vector<16xf32>
      %parallel_loop3A_433 = arith.cmpf oeq, %parallel_loop3A_429, %parallel_loop3A_432 : vector<16xf32>
      %parallel_loop3A_434 = arith.constant 1.000000e+00 : f32
      %parallel_loop3A_435 = vector.broadcast %parallel_loop3A_434 : f32 to vector<16xf32>
      %parallel_loop3A_436 = arith.select %parallel_loop3A_433, %parallel_loop3A_435, %parallel_loop3A_429 : vector<16xi1>, vector<16xf32>
      %parallel_loop3A_437 = arith.divf %parallel_loop3A_430, %parallel_loop3A_436 : vector<16xf32>
      %parallel_loop3A_438 = arith.subf %parallel_loop3A_376, %parallel_loop3A_395 : vector<16xf32>
      %parallel_loop3A_439 = arith.mulf %parallel_loop3A_437, %parallel_loop3A_438 : vector<16xf32>
      %parallel_loop3A_440 = arith.addf %parallel_loop3A_439, %parallel_loop3A_399 : vector<16xf32>
      %parallel_loop3A_441 = arith.constant 0.000000e+00 : f32
      %parallel_loop3A_442 = vector.broadcast %parallel_loop3A_441 : f32 to vector<16xf32>
      %parallel_loop3A_443 = arith.select %parallel_loop3A_433, %parallel_loop3A_442, %parallel_loop3A_440 : vector<16xi1>, vector<16xf32>
      %parallel_loop3A_444 = arith.subf %parallel_loop3A_380, %parallel_loop3A_395 : vector<16xf32>
      %parallel_loop3A_445 = arith.mulf %parallel_loop3A_437, %parallel_loop3A_444 : vector<16xf32>
      %parallel_loop3A_446 = arith.addf %parallel_loop3A_445, %parallel_loop3A_399 : vector<16xf32>
      %parallel_loop3A_447 = arith.constant 0.000000e+00 : f32
      %parallel_loop3A_448 = vector.broadcast %parallel_loop3A_447 : f32 to vector<16xf32>
      %parallel_loop3A_449 = arith.select %parallel_loop3A_433, %parallel_loop3A_448, %parallel_loop3A_446 : vector<16xi1>, vector<16xf32>
      %parallel_loop3A_450 = arith.subf %parallel_loop3A_380, %parallel_loop3A_376 : vector<16xf32>
      %parallel_loop3A_451 = arith.subf %parallel_loop3A_382, %parallel_loop3A_378 : vector<16xf32>
      %parallel_loop3A_452 = arith.constant 0.000000e+00 : f32
      %parallel_loop3A_453 = vector.broadcast %parallel_loop3A_452 : f32 to vector<16xf32>
      %parallel_loop3A_454 = arith.cmpf ogt, %parallel_loop3A_450, %parallel_loop3A_453 : vector<16xf32>
      %parallel_loop3A_455 = arith.constant 0.000000e+00 : f32
      %parallel_loop3A_456 = vector.broadcast %parallel_loop3A_455 : f32 to vector<16xf32>
      %parallel_loop3A_457 = arith.cmpf ogt, %parallel_loop3A_451, %parallel_loop3A_456 : vector<16xf32>
      %parallel_loop3A_458 = arith.andi %parallel_loop3A_454, %parallel_loop3A_457 : vector<16xi1>
      %parallel_loop3A_459 = arith.constant dense<true> : vector<16xi1>
      %parallel_loop3A_460 = arith.xori %parallel_loop3A_433, %parallel_loop3A_459 : vector<16xi1>
      %parallel_loop3A_461 = arith.andi %parallel_loop3A_458, %parallel_loop3A_460 : vector<16xi1>
      %parallel_loop3A_462 = arith.constant 1.000000e+00 : f32
      %parallel_loop3A_463 = vector.broadcast %parallel_loop3A_462 : f32 to vector<16xf32>
      %parallel_loop3A_464 = arith.divf %parallel_loop3A_463, %parallel_loop3A_451 : vector<16xf32>
      %parallel_loop3A_465 = arith.subf %parallel_loop3A_443, %parallel_loop3A_382 : vector<16xf32>
      %parallel_loop3A_466 = arith.mulf %parallel_loop3A_465, %parallel_loop3A_464 : vector<16xf32>
      %parallel_loop3A_467 = arith.subf %parallel_loop3A_449, %parallel_loop3A_382 : vector<16xf32>
      %parallel_loop3A_468 = arith.mulf %parallel_loop3A_467, %parallel_loop3A_464 : vector<16xf32>
      %parallel_loop3A_469 = arith.andi %parallel_loop3A_410, %parallel_loop3A_461 : vector<16xi1>
      %parallel_loop3A_470 = arith.constant 7 : i32
      %parallel_loop3A_471 = arith.shrui %parallel_loop3A_370, %parallel_loop3A_470 : i32
      %parallel_loop3A_472 = arith.constant 127 : i32
      %parallel_loop3A_473 = arith.andi %parallel_loop3A_370, %parallel_loop3A_472 : i32
      %parallel_loop3A_474 = arith.index_cast %parallel_loop3A_471 : i32 to index
      %parallel_loop3A_475 = arith.index_cast %parallel_loop3A_473 : i32 to index
      %parallel_loop3A_476 = tpu.vector_load %arg17[%parallel_loop3A_474, %parallel_loop3A_475] {strides = array<i32>} : memref<8x128xf32, #tpu.memory_space<vmem>>, vector<16xf32>,
      tpu.vector_store %arg17[%parallel_loop3A_474, %parallel_loop3A_475], %parallel_loop3A_428 {strides = array<i32>} : memref<8x128xf32, #tpu.memory_space<vmem>>, vector<16xf32>,
      %parallel_loop3A_477 = arith.constant 2 : i32
      %parallel_loop3A_478 = arith.muli %parallel_loop3A_477, %parallel_loop3A_471 : i32
      %parallel_loop3A_479 = arith.index_cast %parallel_loop3A_478 : i32 to index
      %parallel_loop3A_480 = arith.index_cast %parallel_loop3A_473 : i32 to index
      %parallel_loop3A_481 = tpu.vector_load %arg18[%parallel_loop3A_479, %parallel_loop3A_480] {strides = array<i32>} : memref<16x128xf32, #tpu.memory_space<vmem>>, vector<16xf32>,
      tpu.vector_store %arg18[%parallel_loop3A_479, %parallel_loop3A_480], %parallel_loop3A_466 {strides = array<i32>} : memref<16x128xf32, #tpu.memory_space<vmem>>, vector<16xf32>,
      %parallel_loop3A_482 = arith.constant 2 : i32
      %parallel_loop3A_483 = arith.muli %parallel_loop3A_482, %parallel_loop3A_471 : i32
      %parallel_loop3A_484 = arith.constant 1 : i32
      %parallel_loop3A_485 = arith.addi %parallel_loop3A_483, %parallel_loop3A_484 : i32
      %parallel_loop3A_486 = arith.index_cast %parallel_loop3A_485 : i32 to index
      %parallel_loop3A_487 = arith.index_cast %parallel_loop3A_473 : i32 to index
      %parallel_loop3A_488 = tpu.vector_load %arg18[%parallel_loop3A_486, %parallel_loop3A_487] {strides = array<i32>} : memref<16x128xf32, #tpu.memory_space<vmem>>, vector<16xf32>,
      tpu.vector_store %arg18[%parallel_loop3A_486, %parallel_loop3A_487], %parallel_loop3A_468 {strides = array<i32>} : memref<16x128xf32, #tpu.memory_space<vmem>>, vector<16xf32>,
      %parallel_loop3A_489 = arith.constant 1.000000e+00 : f32
      %parallel_loop3A_490 = arith.constant 0.000000e+00 : f32
      %parallel_loop3A_491 = vector.broadcast %parallel_loop3A_489 : f32 to vector<16xf32>
      %parallel_loop3A_492 = vector.broadcast %parallel_loop3A_490 : f32 to vector<16xf32>
      %parallel_loop3A_493 = arith.select %parallel_loop3A_469, %parallel_loop3A_491, %parallel_loop3A_492 : vector<16xi1>, vector<16xf32>
      %parallel_loop3A_494 = arith.index_cast %parallel_loop3A_370 : i32 to index
      %parallel_loop3A_495 = tpu.vector_load %arg19[%parallel_loop3A_494] {strides = array<i32>} : memref<1000xf32, #tpu.memory_space<vmem>>, vector<16xf32>,
      tpu.vector_store %arg19[%parallel_loop3A_494], %parallel_loop3A_493 {strides = array<i32>} : memref<1000xf32, #tpu.memory_space<vmem>>, vector<16xf32>,
    } {sc.loop_unroll_factor = 1 : i64, sc.parallel_access}
    %get3A = arith.constant 984 : index
    %get3A_213 = tpu.vector_load %arg14[%get3A] {strides = array<i32>} : memref<1000xi32, #tpu.memory_space<vmem>>, vector<16xi32>,
    %get3A_214 = arith.constant 984 : index
    %get3A_215 = tpu.vector_load %arg15[%get3A_214] {strides = array<i32>} : memref<1000xi32, #tpu.memory_space<vmem>>, vector<16xi32>,
    %get3A_216 = arith.constant 984 : index
    %get3A_217 = tpu.vector_load %arg10[%get3A_216] {strides = array<i32>} : memref<1000xf32, #tpu.memory_space<vmem>>, vector<16xf32>,
    %get3A_218 = arith.constant 984 : index
    %get3A_219 = tpu.vector_load %arg11[%get3A_218] {strides = array<i32>} : memref<1000xf32, #tpu.memory_space<vmem>>, vector<16xf32>,
    %get3A_220 = arith.constant 984 : index
    %get3A_221 = tpu.vector_load %arg12[%get3A_220] {strides = array<i32>} : memref<1000xf32, #tpu.memory_space<vmem>>, vector<16xf32>,
    %get3A_222 = arith.constant 984 : index
    %get3A_223 = tpu.vector_load %arg13[%get3A_222] {strides = array<i32>} : memref<1000xf32, #tpu.memory_space<vmem>>, vector<16xf32>,
    %gather3A = tpu.vector_load_idx %arg16[%get3A_213] : memref<768xf32, #tpu.memory_space<vmem>>[vector<16xi32>], vector<16xf32>,
    %add3A_224 = arith.constant 128 : i32
    %add3A_225 = vector.broadcast %add3A_224 : i32 to vector<16xi32>
    %add3A_226 = arith.addi %get3A_213, %add3A_225 : vector<16xi32>
    %gather3A_227 = tpu.vector_load_idx %arg16[%add3A_226] : memref<768xf32, #tpu.memory_space<vmem>>[vector<16xi32>], vector<16xf32>,
    %add3A_228 = arith.constant 256 : i32
    %add3A_229 = vector.broadcast %add3A_228 : i32 to vector<16xi32>
    %add3A_230 = arith.addi %get3A_213, %add3A_229 : vector<16xi32>
    %gather3A_231 = tpu.vector_load_idx %arg16[%add3A_230] : memref<768xf32, #tpu.memory_space<vmem>>[vector<16xi32>], vector<16xf32>,
    %add3A_232 = arith.constant 384 : i32
    %add3A_233 = vector.broadcast %add3A_232 : i32 to vector<16xi32>
    %add3A_234 = arith.addi %get3A_213, %add3A_233 : vector<16xi32>
    %gather3A_235 = tpu.vector_load_idx %arg16[%add3A_234] : memref<768xf32, #tpu.memory_space<vmem>>[vector<16xi32>], vector<16xf32>,
    %add3A_236 = arith.constant 512 : i32
    %add3A_237 = vector.broadcast %add3A_236 : i32 to vector<16xi32>
    %add3A_238 = arith.addi %get3A_213, %add3A_237 : vector<16xi32>
    %gather3A_239 = tpu.vector_load_idx %arg16[%add3A_238] : memref<768xf32, #tpu.memory_space<vmem>>[vector<16xi32>], vector<16xf32>,
    %add3A_240 = arith.constant 640 : i32
    %add3A_241 = vector.broadcast %add3A_240 : i32 to vector<16xi32>
    %add3A_242 = arith.addi %get3A_213, %add3A_241 : vector<16xi32>
    %gather3A_243 = tpu.vector_load_idx %arg16[%add3A_242] : memref<768xf32, #tpu.memory_space<vmem>>[vector<16xi32>], vector<16xf32>,
    %gt3A = arith.constant 0 : i32
    %gt3A_244 = vector.broadcast %gt3A : i32 to vector<16xi32>
    %gt3A_245 = arith.cmpi sgt, %get3A_215, %gt3A_244 : vector<16xi32>
    %gt3A_246 = arith.constant 0.000000e+00 : f32
    %gt3A_247 = vector.broadcast %gt3A_246 : f32 to vector<16xf32>
    %gt3A_248 = arith.cmpf ogt, %gather3A, %gt3A_247 : vector<16xf32>
    %and3A = arith.andi %gt3A_245, %gt3A_248 : vector<16xi1>
    %eq3A = arith.constant 0 : i32
    %eq3A_249 = vector.broadcast %eq3A : i32 to vector<16xi32>
    %eq3A_250 = arith.cmpi eq, %get3A_215, %eq3A_249 : vector<16xi32>
    %jit3A = arith.constant 0.000000e+00 : f32
    %broadcast_in_dim3A = vector.broadcast %jit3A : f32 to vector<16xf32>
    %select_n3A = arith.select %eq3A_250, %broadcast_in_dim3A, %gather3A_243 : vector<16xi1>, vector<16xf32>
    %lt3A = arith.constant 0 : i32
    %lt3A_251 = vector.broadcast %lt3A : i32 to vector<16xi32>
    %lt3A_252 = arith.cmpi slt, %get3A_215, %lt3A_251 : vector<16xi32>
    %jit3A_253 = arith.constant -1.000000e+00 : f32
    %broadcast_in_dim3A_254 = vector.broadcast %jit3A_253 : f32 to vector<16xf32>
    %select_n3A_255 = arith.select %lt3A_252, %broadcast_in_dim3A_254, %select_n3A : vector<16xi1>, vector<16xf32>
    %eq3A_256 = arith.constant 0.000000e+00 : f32
    %eq3A_257 = vector.broadcast %eq3A_256 : f32 to vector<16xf32>
    %eq3A_258 = arith.cmpf oeq, %gather3A, %eq3A_257 : vector<16xf32>
    %jit3A_259 = arith.constant -1.000000e+00 : f32
    %broadcast_in_dim3A_260 = vector.broadcast %jit3A_259 : f32 to vector<16xf32>
    %select_n3A_261 = arith.select %eq3A_258, %broadcast_in_dim3A_260, %select_n3A_255 : vector<16xi1>, vector<16xf32>
    %sub3A = arith.subf %gather3A_227, %gather3A_235 : vector<16xf32>
    %sub3A_262 = arith.subf %gather3A_231, %gather3A_239 : vector<16xf32>
    %eq3A_263 = arith.constant 0.000000e+00 : f32
    %eq3A_264 = vector.broadcast %eq3A_263 : f32 to vector<16xf32>
    %eq3A_265 = arith.cmpf oeq, %sub3A, %eq3A_264 : vector<16xf32>
    %jit3A_266 = arith.constant 1.000000e+00 : f32
    %broadcast_in_dim3A_267 = vector.broadcast %jit3A_266 : f32 to vector<16xf32>
    %select_n3A_268 = arith.select %eq3A_265, %broadcast_in_dim3A_267, %sub3A : vector<16xi1>, vector<16xf32>
    %div3A = arith.divf %sub3A_262, %select_n3A_268 : vector<16xf32>
    %sub3A_269 = arith.subf %get3A_217, %gather3A_235 : vector<16xf32>
    %mul3A_270 = arith.mulf %div3A, %sub3A_269 : vector<16xf32>
    %add3A_271 = arith.addf %mul3A_270, %gather3A_239 : vector<16xf32>
    %jit3A_272 = arith.constant 0.000000e+00 : f32
    %broadcast_in_dim3A_273 = vector.broadcast %jit3A_272 : f32 to vector<16xf32>
    %select_n3A_274 = arith.select %eq3A_265, %broadcast_in_dim3A_273, %add3A_271 : vector<16xi1>, vector<16xf32>
    %sub3A_275 = arith.subf %get3A_221, %gather3A_235 : vector<16xf32>
    %mul3A_276 = arith.mulf %div3A, %sub3A_275 : vector<16xf32>
    %add3A_277 = arith.addf %mul3A_276, %gather3A_239 : vector<16xf32>
    %jit3A_278 = arith.constant 0.000000e+00 : f32
    %broadcast_in_dim3A_279 = vector.broadcast %jit3A_278 : f32 to vector<16xf32>
    %select_n3A_280 = arith.select %eq3A_265, %broadcast_in_dim3A_279, %add3A_277 : vector<16xi1>, vector<16xf32>
    %sub3A_281 = arith.subf %get3A_221, %get3A_217 : vector<16xf32>
    %sub3A_282 = arith.subf %get3A_223, %get3A_219 : vector<16xf32>
    %gt3A_283 = arith.constant 0.000000e+00 : f32
    %gt3A_284 = vector.broadcast %gt3A_283 : f32 to vector<16xf32>
    %gt3A_285 = arith.cmpf ogt, %sub3A_281, %gt3A_284 : vector<16xf32>
    %gt3A_286 = arith.constant 0.000000e+00 : f32
    %gt3A_287 = vector.broadcast %gt3A_286 : f32 to vector<16xf32>
    %gt3A_288 = arith.cmpf ogt, %sub3A_282, %gt3A_287 : vector<16xf32>
    %and3A_289 = arith.andi %gt3A_285, %gt3A_288 : vector<16xi1>
    %not3A = arith.constant dense<true> : vector<16xi1>
    %not3A_290 = arith.xori %eq3A_265, %not3A : vector<16xi1>
    %and3A_291 = arith.andi %and3A_289, %not3A_290 : vector<16xi1>
    %div3A_292 = arith.constant 1.000000e+00 : f32
    %div3A_293 = vector.broadcast %div3A_292 : f32 to vector<16xf32>
    %div3A_294 = arith.divf %div3A_293, %sub3A_282 : vector<16xf32>
    %sub3A_295 = arith.subf %select_n3A_274, %get3A_223 : vector<16xf32>
    %mul3A_296 = arith.mulf %sub3A_295, %div3A_294 : vector<16xf32>
    %sub3A_297 = arith.subf %select_n3A_280, %get3A_223 : vector<16xf32>
    %mul3A_298 = arith.mulf %sub3A_297, %div3A_294 : vector<16xf32>
    %and3A_299 = arith.andi %and3A, %and3A_291 : vector<16xi1>
    %shift_right_logical3A = arith.constant 984 : i32
    %shift_right_logical3A_300 = arith.constant 7 : i32
    %shift_right_logical3A_301 = arith.shrui %shift_right_logical3A, %shift_right_logical3A_300 : i32
    %and3A_302 = arith.constant 984 : i32
    %and3A_303 = arith.constant 127 : i32
    %and3A_304 = arith.andi %and3A_302, %and3A_303 : i32
    %swap3A = arith.index_cast %shift_right_logical3A_301 : i32 to index
    %swap3A_305 = arith.index_cast %and3A_304 : i32 to index
    %swap3A_306 = tpu.vector_load %arg17[%swap3A, %swap3A_305] {strides = array<i32>} : memref<8x128xf32, #tpu.memory_space<vmem>>, vector<16xf32>,
    tpu.vector_store %arg17[%swap3A, %swap3A_305], %select_n3A_261 {strides = array<i32>} : memref<8x128xf32, #tpu.memory_space<vmem>>, vector<16xf32>,
    %mul3A_307 = arith.constant 2 : i32
    %mul3A_308 = arith.muli %mul3A_307, %shift_right_logical3A_301 : i32
    %swap3A_309 = arith.index_cast %mul3A_308 : i32 to index
    %swap3A_310 = arith.index_cast %and3A_304 : i32 to index
    %swap3A_311 = tpu.vector_load %arg18[%swap3A_309, %swap3A_310] {strides = array<i32>} : memref<16x128xf32, #tpu.memory_space<vmem>>, vector<16xf32>,
    tpu.vector_store %arg18[%swap3A_309, %swap3A_310], %mul3A_296 {strides = array<i32>} : memref<16x128xf32, #tpu.memory_space<vmem>>, vector<16xf32>,
    %mul3A_312 = arith.constant 2 : i32
    %mul3A_313 = arith.muli %mul3A_312, %shift_right_logical3A_301 : i32
    %add3A_314 = arith.constant 1 : i32
    %add3A_315 = arith.addi %mul3A_313, %add3A_314 : i32
    %swap3A_316 = arith.index_cast %add3A_315 : i32 to index
    %swap3A_317 = arith.index_cast %and3A_304 : i32 to index
    %swap3A_318 = tpu.vector_load %arg18[%swap3A_316, %swap3A_317] {strides = array<i32>} : memref<16x128xf32, #tpu.memory_space<vmem>>, vector<16xf32>,
    tpu.vector_store %arg18[%swap3A_316, %swap3A_317], %mul3A_298 {strides = array<i32>} : memref<16x128xf32, #tpu.memory_space<vmem>>, vector<16xf32>,
    %jit3A_319 = arith.constant 1.000000e+00 : f32
    %jit3A_320 = arith.constant 0.000000e+00 : f32
    %broadcast_in_dim3A_321 = vector.broadcast %jit3A_319 : f32 to vector<16xf32>
    %broadcast_in_dim3A_322 = vector.broadcast %jit3A_320 : f32 to vector<16xf32>
    %select_n3A_323 = arith.select %and3A_299, %broadcast_in_dim3A_321, %broadcast_in_dim3A_322 : vector<16xi1>, vector<16xf32>
    %swap3A_324 = arith.constant 984 : index
    %swap3A_325 = tpu.vector_load %arg19[%swap3A_324] {strides = array<i32>} : memref<1000xf32, #tpu.memory_space<vmem>>, vector<16xf32>,
    tpu.vector_store %arg19[%swap3A_324], %select_n3A_323 {strides = array<i32>} : memref<1000xf32, #tpu.memory_space<vmem>>, vector<16xf32>,
    %dma_start3A_326 = arith.constant 0 : i32
    %dma_start3A_327 = arith.constant 0 : i32
    %dma_start3A_328 = tpu.memref_slice %arg7[%add3A, %dma_start3A_326, %dma_start3A_327] : memref<32x8x128xf32, #tpu.memory_space<hbm>> -> memref<1x8x128xf32, #tpu.memory_space<hbm>>
    %dma_start3A_329 = tpu.memref_squeeze %dma_start3A_328 : memref<1x8x128xf32, #tpu.memory_space<hbm>> -> memref<8x128xf32, #tpu.memory_space<hbm>>
    %dma_start3A_330 = arith.constant 0 : i32
    %dma_start3A_331 = arith.constant 0 : i32
    %dma_start3A_332 = tpu.memref_slice %arg7[%add3A, %dma_start3A_330, %dma_start3A_331] : memref<32x8x128xf32, #tpu.memory_space<hbm>> -> memref<1x8x128xf32, #tpu.memory_space<hbm>>
    %dma_start3A_333 = tpu.memref_squeeze %dma_start3A_332 : memref<1x8x128xf32, #tpu.memory_space<hbm>> -> memref<8x128xf32, #tpu.memory_space<hbm>>
    tpu.enqueue_dma source(%arg17 : memref<8x128xf32, #tpu.memory_space<vmem>>) target(%dma_start3A_333 : memref<8x128xf32, #tpu.memory_space<hbm>>) target_semaphore(%arg20 : memref<!tpu.dma_semaphore, #tpu.memory_space<semaphore_mem>>)
    %dma_start3A_334 = arith.constant 0 : i32
    %dma_start3A_335 = arith.constant 0 : i32
    %dma_start3A_336 = tpu.memref_slice %arg8[%add3A, %dma_start3A_334, %dma_start3A_335] : memref<32x16x128xf32, #tpu.memory_space<hbm>> -> memref<1x16x128xf32, #tpu.memory_space<hbm>>
    %dma_start3A_337 = tpu.memref_squeeze %dma_start3A_336 : memref<1x16x128xf32, #tpu.memory_space<hbm>> -> memref<16x128xf32, #tpu.memory_space<hbm>>
    %dma_start3A_338 = arith.constant 0 : i32
    %dma_start3A_339 = arith.constant 0 : i32
    %dma_start3A_340 = tpu.memref_slice %arg8[%add3A, %dma_start3A_338, %dma_start3A_339] : memref<32x16x128xf32, #tpu.memory_space<hbm>> -> memref<1x16x128xf32, #tpu.memory_space<hbm>>
    %dma_start3A_341 = tpu.memref_squeeze %dma_start3A_340 : memref<1x16x128xf32, #tpu.memory_space<hbm>> -> memref<16x128xf32, #tpu.memory_space<hbm>>
    tpu.enqueue_dma source(%arg18 : memref<16x128xf32, #tpu.memory_space<vmem>>) target(%dma_start3A_341 : memref<16x128xf32, #tpu.memory_space<hbm>>) target_semaphore(%arg20 : memref<!tpu.dma_semaphore, #tpu.memory_space<semaphore_mem>>)
    %dma_start3A_342 = arith.constant 0 : i32
    %dma_start3A_343 = tpu.memref_slice %arg9[%add3A, %dma_start3A_342] : memref<32x1000xf32, #tpu.memory_space<hbm>> -> memref<1x1000xf32, #tpu.memory_space<hbm>>
    %dma_start3A_344 = tpu.memref_squeeze %dma_start3A_343 : memref<1x1000xf32, #tpu.memory_space<hbm>> -> memref<1000xf32, #tpu.memory_space<hbm>>
    %dma_start3A_345 = arith.constant 0 : i32
    %dma_start3A_346 = tpu.memref_slice %arg9[%add3A, %dma_start3A_345] : memref<32x1000xf32, #tpu.memory_space<hbm>> -> memref<1x1000xf32, #tpu.memory_space<hbm>>
    %dma_start3A_347 = tpu.memref_squeeze %dma_start3A_346 : memref<1x1000xf32, #tpu.memory_space<hbm>> -> memref<1000xf32, #tpu.memory_space<hbm>>
    tpu.enqueue_dma source(%arg19 : memref<1000xf32, #tpu.memory_space<vmem>>) target(%dma_start3A_347 : memref<1000xf32, #tpu.memory_space<hbm>>) target_semaphore(%arg20 : memref<!tpu.dma_semaphore, #tpu.memory_space<semaphore_mem>>)
    %dma_wait3A_348 = arith.constant 0 : i32
    %dma_wait3A_349 = arith.constant 0 : i32
    %dma_wait3A_350 = tpu.memref_slice %arg7[%add3A, %dma_wait3A_348, %dma_wait3A_349] : memref<32x8x128xf32, #tpu.memory_space<hbm>> -> memref<1x8x128xf32, #tpu.memory_space<hbm>>
    %dma_wait3A_351 = tpu.memref_squeeze %dma_wait3A_350 : memref<1x8x128xf32, #tpu.memory_space<hbm>> -> memref<8x128xf32, #tpu.memory_space<hbm>>
    %dma_wait3A_352 = arith.constant 0 : i32
    %dma_wait3A_353 = arith.constant 0 : i32
    %dma_wait3A_354 = tpu.memref_slice %arg7[%add3A, %dma_wait3A_352, %dma_wait3A_353] : memref<32x8x128xf32, #tpu.memory_space<hbm>> -> memref<1x8x128xf32, #tpu.memory_space<hbm>>
    %dma_wait3A_355 = tpu.memref_squeeze %dma_wait3A_354 : memref<1x8x128xf32, #tpu.memory_space<hbm>> -> memref<8x128xf32, #tpu.memory_space<hbm>>
    tpu.wait_dma2 semaphore(%arg20 : memref<!tpu.dma_semaphore, #tpu.memory_space<semaphore_mem>>) src(%arg17 : memref<8x128xf32, #tpu.memory_space<vmem>>) dst(%dma_wait3A_355 : memref<8x128xf32, #tpu.memory_space<hbm>>)
    %dma_wait3A_356 = arith.constant 0 : i32
    %dma_wait3A_357 = arith.constant 0 : i32
    %dma_wait3A_358 = tpu.memref_slice %arg8[%add3A, %dma_wait3A_356, %dma_wait3A_357] : memref<32x16x128xf32, #tpu.memory_space<hbm>> -> memref<1x16x128xf32, #tpu.memory_space<hbm>>
    %dma_wait3A_359 = tpu.memref_squeeze %dma_wait3A_358 : memref<1x16x128xf32, #tpu.memory_space<hbm>> -> memref<16x128xf32, #tpu.memory_space<hbm>>
    %dma_wait3A_360 = arith.constant 0 : i32
    %dma_wait3A_361 = arith.constant 0 : i32
    %dma_wait3A_362 = tpu.memref_slice %arg8[%add3A, %dma_wait3A_360, %dma_wait3A_361] : memref<32x16x128xf32, #tpu.memory_space<hbm>> -> memref<1x16x128xf32, #tpu.memory_space<hbm>>
    %dma_wait3A_363 = tpu.memref_squeeze %dma_wait3A_362 : memref<1x16x128xf32, #tpu.memory_space<hbm>> -> memref<16x128xf32, #tpu.memory_space<hbm>>
    tpu.wait_dma2 semaphore(%arg20 : memref<!tpu.dma_semaphore, #tpu.memory_space<semaphore_mem>>) src(%arg18 : memref<16x128xf32, #tpu.memory_space<vmem>>) dst(%dma_wait3A_363 : memref<16x128xf32, #tpu.memory_space<hbm>>)
    %dma_wait3A_364 = arith.constant 0 : i32
    %dma_wait3A_365 = tpu.memref_slice %arg9[%add3A, %dma_wait3A_364] : memref<32x1000xf32, #tpu.memory_space<hbm>> -> memref<1x1000xf32, #tpu.memory_space<hbm>>
    %dma_wait3A_366 = tpu.memref_squeeze %dma_wait3A_365 : memref<1x1000xf32, #tpu.memory_space<hbm>> -> memref<1000xf32, #tpu.memory_space<hbm>>
    %dma_wait3A_367 = arith.constant 0 : i32
    %dma_wait3A_368 = tpu.memref_slice %arg9[%add3A, %dma_wait3A_367] : memref<32x1000xf32, #tpu.memory_space<hbm>> -> memref<1x1000xf32, #tpu.memory_space<hbm>>
    %dma_wait3A_369 = tpu.memref_squeeze %dma_wait3A_368 : memref<1x1000xf32, #tpu.memory_space<hbm>> -> memref<1000xf32, #tpu.memory_space<hbm>>
    tpu.wait_dma2 semaphore(%arg20 : memref<!tpu.dma_semaphore, #tpu.memory_space<semaphore_mem>>) src(%arg19 : memref<1000xf32, #tpu.memory_space<vmem>>) dst(%dma_wait3A_369 : memref<1000xf32, #tpu.memory_space<hbm>>)
    return
  }
}

</mosaic_0001>

<sc_bundles>
// kernel: kernel.3.cloned.1.call-start
scs
__scs_entry_jumppad:
0x0: {  	(pc) =	sbr.rel $0x88, $3  }
0x1: {  	(tag) =	ssettag $0x0;
	lr =	simm.s32 $0x1  }
0x2: {  	[smem:$0x3F9C] =	sst lr;
	_ =	strace $0xD0000000  }
0x3: {  	_ = 	snop  }
0x4: {  	_ = 	snop  }
0x5: {  	_ = 	snop  }
0x6: {  	_ = 	snop  }
0x7: {  	_ = 	snop  }
__scs_overlays_trampoline_lowered:
0x8: {  	[smem:$0x3FAB] =	sst s0  }
0x9: {  	[smem:$0x3FAC] =	sst s1  }
0xa: {  	[smem:$0x3FAD] =	sst s2  }
0xb: {  	[smem:$0x3FAE] =	sst s3  }
0xc: {  	[smem:$0x3FAF] =	sst s4  }
0xd: {  	[smem:$0x3FB0] =	sst s5  }
0xe: {  	[smem:$0x3FB1] =	sst s6  }
0xf: {  	[smem:$0x3FB2] =	sst s7  }
0x10: {  	[smem:$0x3FB3] =	sst s8  }
0x11: {  	[smem:$0x3FB4] =	sst s9;
	s0 =	simm.s32 @!p0 $0x0  }
0x12: {  	s1 =	sld [smem:$0x3F9A];
	s0 =	simm.s32 @p0 $0x1  }
0x13: {  	[smem:$0x3FB5] =	sst s0;
	s0 =	simm.s32 @!p1 $0x0  }
0x14: {  	s2 =	sld [smem:$0x3F99];
	s0 =	simm.s32 @p1 $0x1  }
0x15: {  	[smem:$0x3FB6] =	sst s0;
	s0 =	simm.s32 @!p2 $0x0  }
0x16: {  	s3 =	sld [smem:$0x3FDB];
	s0 =	simm.s32 @p2 $0x1  }
0x17: {  	s4 =	simm.s32 $0x1BF5;
	[smem:$0x3FB8] =	sst s0  }
0x18: {  	s0 =	sld [smem:$0x3F9B];
	_ =	swait.ge [sflag:s4], $0x0  }
0x19: {  	s7 =	sld [smem:$0x3F9C]  }
0x1a: {  	s8 =	sadd.s32 $0xFFFFE003, lr  }
0x1b: {  	s9 =	sadd.s32 $0xFFFFFEF7, lr;
	s5 =	simm.s32 $0xFFFFFFFF;
	p2 =	slt.u32 s8, $0xFFFFF086  }
0x1c: {  	p1 =	slt.u32 s9, $0xF7A;
	s5 =	simm.s32 @!p2 $0x0  }
0x1d: {  	s5 =	simm.s32 @p1 $0x1;
	p0 =	seq.s32 s7, s2  }
0x1e: {  	s7 =	smul.u32 @!p0 $0xF7A, s2;
	p2 =	seq.s32 @!p0 s5, $0x0  }
0x1f: {  	s9 =	smul.u32 $0xF7A, s1;
	s8 =	simm.s32 @!p0 $0x1BF5;
	p2 =	por !p2, p0  }
0x20: {  	[sflag:s8] =	ssyncset.s32 @!p0 $0xFFFFF086;
	s6 =	sadd.s32 @!p0 s3, s7;
	s7 =	simm.s32 @!p0 $0x108  }
0x21: {  	s3 =	sadd.s32 s3, s9;
	s6 =	sadd.s32 @!p0 $0x88, s6;
	s7 =	simm.s32 @p2 $0x1082  }
0x22: {  	[simem:s7], [sflag:s8] =	dma.local @!p0 [hbm:s6], $0xF7A  }
0x23: {  	s9 =	sor.u32 $0xD0000000, s2;
	s6 =	simm.s32 $0x108;
	_ =	swait.ge @!p0 [sflag:s8], $0x0  }
0x24: {  	s3 =	sadd.s32 $0x88, s3;
	s6 =	simm.s32 @!p1 $0x1082;
	[sflag:s4] =	ssyncset.s32 $0xFFFFF086  }
0x25: {  	[simem:s6], [sflag:s4] =	dma.local [hbm:s3], $0xF7A  }
0x26: {  	[smem:$0x3F9C] =	sst s1;
	(tag) =	ssettag s2;
	_ =	strace s9  }
0x27: {  	s1 =	sld [smem:$0x3FAC]  }
0x28: {  	s2 =	sld [smem:$0x3FAD]  }
0x29: {  	s4 =	sld [smem:$0x3FAF]  }
0x2a: {  	p0 =	seq.s32 s5, $0x0;
	s5 =	sld [smem:$0x3FB0]  }
0x2b: {  	s6 =	sld [smem:$0x3FB1]  }
0x2c: {  	s7 =	sld [smem:$0x3FB2]  }
0x2d: {  	s3 =	simm.s32 $0x108;
	s8 =	sld [smem:$0x3FB3]  }
0x2e: {  	s3 =	simm.s32 @!p0 $0x1082;
	s9 =	sld [smem:$0x3FB4]  }
0x2f: {  	lr =	sadd.s32 s0, s3;
	s0 =	sld [smem:$0x3FAB]  }
0x30: {  	s3 =	sld [smem:$0x3FAE]  }
0x31: {  	[smem:$0x3FB7] =	sst s10  }
0x32: {  	s10 =	sld [smem:$0x3FB5];
	_ =	sdelay $0x3  }
0x33: {  	p0 =	seq.s32 s10, $0x1;
	s10 =	sld [smem:$0x3FB7];
	_ =	sdelay $0x3  }
0x34: {  	[smem:$0x3FB7] =	sst s10  }
0x35: {  	s10 =	sld [smem:$0x3FB6];
	_ =	sdelay $0x3  }
0x36: {  	p1 =	seq.s32 s10, $0x1;
	s10 =	sld [smem:$0x3FB7];
	_ =	sdelay $0x3  }
0x37: {  	[smem:$0x3FB7] =	sst s10  }
0x38: {  	s10 =	sld [smem:$0x3FB8]  }
0x39: {  	_ = 	snop;
	(pc) =	sbr.ind lr, $3  }
0x3a: {  	_ = 	snop  }
0x3b: {  	_ = 	snop  }
0x3c: {  	p2 =	seq.s32 s10, $0x1;
	s10 =	sld [smem:$0x3FB7]  }
0x3d: {  	_ =	shalt  }
0x3e: {  	_ =	shalt  }
0x3f: {  	_ =	shalt  }
0x40: {  	_ =	shalt  }
0x41: {  	_ =	shalt  }
0x42: {  	_ =	shalt  }
0x43: {  	_ =	shalt  }
0x44: {  	_ =	shalt  }
0x45: {  	_ =	shalt  }
0x46: {  	_ =	shalt  }
0x47: {  	_ =	shalt  }
0x48: {  	_ =	shalt  }
0x49: {  	_ =	shalt  }
0x4a: {  	_ =	shalt  }
0x4b: {  	_ =	shalt  }
0x4c: {  	_ =	shalt  }
0x4d: {  	_ =	shalt  }
0x4e: {  	_ =	shalt  }
0x4f: {  	_ =	shalt  }
0x50: {  	_ =	shalt  }
0x51: {  	_ =	shalt  }
0x52: {  	_ =	shalt  }
0x53: {  	_ =	shalt  }
0x54: {  	_ =	shalt  }
0x55: {  	_ =	shalt  }
0x56: {  	_ =	shalt  }
0x57: {  	_ =	shalt  }
0x58: {  	_ =	shalt  }
0x59: {  	_ =	shalt  }
0x5a: {  	_ =	shalt  }
0x5b: {  	_ =	shalt  }
0x5c: {  	_ =	shalt  }
0x5d: {  	_ =	shalt  }
0x5e: {  	_ =	shalt  }
0x5f: {  	_ =	shalt  }
0x60: {  	_ =	shalt  }
0x61: {  	_ =	shalt  }
0x62: {  	_ =	shalt  }
0x63: {  	_ =	shalt  }
0x64: {  	_ =	shalt  }
0x65: {  	_ =	shalt  }
0x66: {  	_ =	shalt  }
0x67: {  	_ =	shalt  }
0x68: {  	_ =	shalt  }
0x69: {  	_ =	shalt  }
0x6a: {  	_ =	shalt  }
0x6b: {  	_ =	shalt  }
0x6c: {  	_ =	shalt  }
0x6d: {  	_ =	shalt  }
0x6e: {  	_ =	shalt  }
0x6f: {  	_ =	shalt  }
0x70: {  	_ =	shalt  }
0x71: {  	_ =	shalt  }
0x72: {  	_ =	shalt  }
0x73: {  	_ =	shalt  }
0x74: {  	_ =	shalt  }
0x75: {  	_ =	shalt  }
0x76: {  	_ =	shalt  }
0x77: {  	_ =	shalt  }
0x78: {  	_ =	shalt  }
0x79: {  	_ =	shalt  }
0x7a: {  	_ =	shalt  }
0x7b: {  	_ =	shalt  }
0x7c: {  	_ =	shalt  }
0x7d: {  	_ =	shalt  }
0x7e: {  	_ =	shalt  }
0x7f: {  	_ =	shalt  }
0x80: {  	_ =	shalt  }
0x81: {  	_ =	shalt  }
0x82: {  	_ =	shalt  }
0x83: {  	_ =	shalt  }
0x84: {  	_ =	shalt  }
0x85: {  	_ =	shalt  }
0x86: {  	_ =	shalt  }
0x87: {  	_ =	shalt  }
.Lfunc_end0:
.L_simem_size_0:
called_computation_lowered:
.L_overlay_start_0:
0x88: {  	s2 =	sld [smem:$0x3FD9]  }
0x89: {  	s3 =	sld [smem:$0x3FFE];
	_ =	sdelay $0x1  }
0x8a: {  	s1 =	srdreg.scid  }
0x8b: {  	s0 =	sand.u32 $0x1, s1  }
0x8c: {  	s14 =	sshll.u32 s0, $0xA;
	s2 =	sadd.s32 s3, s2  }
0x8d: {  	s2 =	sadd.s32 s2, s14  }
0x8e: {  	[smem:$0x3FC3] =	sst s2  }
0x8f: {  	_ = 	snop  }
0x90: {  	s2 =	sld [smem:$0x3FC9]  }
0x91: {  	s15 =	sld [smem:$0x3FC8]  }
0x92: {  	s4 =	sld [smem:$0x3FD0]  }
0x93: {  	s5 =	sld [smem:$0x3FC7]  }
0x94: {  	s6 =	sld [smem:$0x3FC6]  }
0x95: {  	s8 =	simm.s32 $0xA;
	s9 =	simm.s32 $0x10;
	s7 =	sld [smem:$0x3FC5]  }
0x96: {  	[smem:s9], [sflag:s8] =	dma.local [hbm:s4], $0x1  }
0x97: {  	_ =	swait.eq [sflag:s8], $0x1  }
0x98: {  	[sflag:s8] =	ssyncset.done $0x0  }
0x99: {  	s16 =	sld [smem:$0x10];
	[sflag:s8] =	ssyncadd.s32 $0xFFFFFFFF  }
0x9a: {  	s17 =	sld [smem:$0x12];
	(tm) =	ssettm $0x1  }
0x9b: {  	s18 =	sld [smem:$0x3FFB];
	_ =	sdelay $0x3  }
0x9c: {  	_ =	strace s18  }
0x9d: {  	s9 =	sld [smem:$0x3FFC];
	_ =	sdelay $0x3  }
0x9e: {  	_ =	strace s9  }
0x9f: {  	s9 =	sld [smem:$0x3FFD];
	_ =	sdelay $0x3  }
0xa0: {  	_ =	strace s9  }
0xa1: {  	_ =	strace $0x8FFFFFFF  }
0xa2: {  	s19 =	sld [smem:$0x3FDB];
	_ =	sdelay $0x1  }
0xa3: {  	s10 =	simm.s32 $_scs_section_size  }
0xa4: {  	s11 =	simm.s32 $_size__tile_overlayer_lowered;
	s12 =	simm.s32 $_tile_overlayer_lowered  }
0xa5: {  	s22 =	simm.s32 $0x1BFF;
	s21 =	sshll.u32 s12, $0x1;
	s9 =	sadd.s32 s10, s19  }
0xa6: {  	s13 =	simm.s32 $0x0;
	s20 =	sshll.u32 s11, $0x1;
	s11 =	sadd.s32 s21, s9  }
0xa7: {  	[timem:s13], [sflag:s22] =	dma.local [hbm:s11], s20  }
0xa8: {  	_ =	swait.ge [sflag:s22], s20  }
0xa9: {  	s10 =	ssub.s32 $0x0, s20;
	[sflag:s22] =	ssyncset.done $0x0  }
0xaa: {  	[sflag:s22] =	ssyncadd.s32 s10;
	_ =	sdelay $0x1  }
0xab: {  	s23 =	simm.s32 $0x1B8B  }
0xac: {  	_ =	swait.ge [sflag:s23], $0x1  }
0xad: {  	[sflag:s23] =	ssyncset.done $0x0  }
0xae: {  	s25 =	simm.s32 $0x1B8E;
	s24 =	sld [smem:$0x3FFE];
	[sflag:s23] =	ssyncadd.s32 $0xFFFFFFFF  }
0xaf: {  	s26 =	simm.s32 $execute0_lowered;
	[smem:$0x3FD2] =	sst s25  }
0xb0: {  	s11 =	sshll.u32 s26, $0x1;
	_ =	strace $0x80000046;
	[dreg:$0x1] =	wrdreg $0xFFFFFFFF  }
0xb1: {  	s28 =	simm.s32 $_size_execute0_lowered;
	s9 =	sadd.s32 s9, s11;
	[dreg:$0x0] =	wrdreg $0x0  }
0xb2: {  	s11 =	sshll.u32 s28, $0x1;
	[dreg:$0x2] =	wrdreg s9  }
0xb3: {  	[dreg:$0x3] =	wrdreg s11  }
0xb4: {  	[dreg:$0x4] =	wrdreg $0xC0  }
0xb5: {  	_ =	task [dreg:s13], $0x5FFFF  }
0xb6: {  	[dreg:$0x1] =	wrdreg $0xFFFFFFFF  }
0xb7: {  	[dreg:$0x0] =	wrdreg $0x60  }
0xb8: {  	[dreg:$0x2] =	wrdreg s2  }
0xb9: {  	[dreg:$0x3] =	wrdreg s15  }
0xba: {  	[dreg:$0x4] =	wrdreg s5  }
0xbb: {  	[dreg:$0x5] =	wrdreg s7  }
0xbc: {  	[dreg:$0x6] =	wrdreg s6  }
0xbd: {  	[dreg:$0x7] =	wrdreg s16  }
0xbe: {  	[dreg:$0x8] =	wrdreg s17  }
0xbf: {  	[dreg:$0x9] =	wrdreg s24  }
0xc0: {  	[dreg:$0xa] =	wrdreg $0x9  }
0xc1: {  	_ =	task.clear_ibuf [dreg:s13], $0xBFFFF;
	_ =	strace $0x90000046  }
0xc2: {  	s29 =	simm.s32 $0x9;
	_ =	strace $0x80000048  }
0xc3: {  	_ =	swait.ge [sflag:s29], $0x1  }
0xc4: {  	[sflag:s29] =	ssyncadd.s32 $0xFFFFFFFF  }
0xc5: {  	_ =	strace $0x90000048  }
0xc6: {  	_ =	sfence  }
0xc7: {  	s30 =	sld [smem:$0x0];
	_ =	sdelay $0x2  }
0xc8: {  	s31 =	sshll.u32 s1, $0xD;
	s1 =	sshrl.u32 s1, $0x2  }
0xc9: {  	s3 =	sand.u32 $0x4000, s31;
	s1 =	sadd.s32 s1, s30  }
0xca: {  	s0 =	sor.u32 s3, s0;
	s1 =	sshll.u32 s1, $0x11  }
0xcb: {  	s0 =	sor.u32 s1, s0  }
0xcc: {  	s0 =	sadd.s32 $0x8F2B, s0  }
0xcd: {  	[sflag:s0] =	ssyncadd.remote.s32 $0x1  }
0xce: {  	_ =	sfence.sel $0xFFFF  }
0xcf: {  	[dreg:$0x0] =	wrdreg $0xFFFFFFFF;
	(pc) =	sbr.abs _section_cstart, $3  }
0xd0: {  	[dreg:$0x1] =	wrdreg $0xFFFFFFFF  }
0xd1: {  	_ =	task.clear_ibuf [dreg:s13], $0x2FFFF;
	_ =	strace $0x9FFFFFFF  }
0xd2: {  	(tm) =	ssettm $0x7FFFFFFF  }
0xd3: {  	_ =	shalt  }
tec
execute0_lowered:
.L_overlay_start_1:
0x0: {  	(tag) =	ssettag $0x1  }
0x1: {  	s0 =	rddreg [dreg:$0x0]  }
0x2: {  	s1 =	rddreg [dreg:$0x1]  }
0x3: {  	s4 =	rddreg [dreg:$0x2]  }
0x4: {  	s5 =	rddreg [dreg:$0x3]  }
0x5: {  	s6 =	rddreg [dreg:$0x4]  }
0x6: {  	s7 =	rddreg [dreg:$0x5]  }
0x7: {  	s2 =	srdreg.scid;
	s8 =	rddreg [dreg:$0x6]  }
0x8: {  	s11 =	stileid.u32;
	s9 =	rddreg [dreg:$0x7]  }
0x9: {  	s3 =	sand.u32 $0x1, s2;
	s26 =	sshll.u32 s11, $0x1;
	s11 =	sshrl.u32 s11, $0x2  }
0xa: {  	s2 =	simm.s32 $0x0;
	s10 =	sor.u32 s3, s26;
	s14 =	sshll.u32 s11, $0xD  }
0xb: {  	[smem:$0x7FF] =	sst s2;
	s3 =	ssub.s32 $0x2, s3;
	s30 =	sshll.u32 s11, $0xA  }
0xc: {  	s12 =	sshll.u32 s10, $0x7;
	_ =	strace $0x80000047;
	s29 =	sshrl.u32 s3, $0x1  }
0xd: {  	s16 =	sshll.u32 s10, $0x9;
	s25 =	sshll.u32 s10, $0x8;
	s13 =	sand.u32 $0x380, s12  }
0xe: {  	s17 =	ssub.s32 s3, s29;
	s3 =	sadd.s32 s0, s16;
	s26 =	sadd.s32 s7, s12  }
0xf: {  	s14 =	sor.u32 s14, s13;
	s11 =	sadd.s32 $0x10, s3;
	[dreg:$0x13] =	wrdreg s26  }
0x10: {  	s16 =	sadd.s32 $0x20, s3;
	s0 =	sor.u32 s30, s13;
	[dreg:$0x9] =	wrdreg s11  }
0x11: {  	s18 =	sadd.s32 $0x30, s3;
	s30 =	smax.u32 s17, $0x1;
	[dreg:$0xa] =	wrdreg s16  }
0x12: {  	s14 =	sshrl.u32 s14, $0x3;
	[dreg:$0xb] =	wrdreg s18;
	s0 =	sshrl.u32 s0, $0x3  }
0x13: {  	[dreg:$0x16] =	wrdreg s30;
	s15 =	sadd.s32 s14, s9;
	s5 =	sadd.s32 s5, s14  }
0x14: {  	s19 =	sadd.s32 s6, s14;
	s1 =	sadd.s32 s0, s1;
	[dreg:$0xc] =	wrdreg s5  }
0x15: {  	s9 =	sadd.s32 s4, s0;
	s0 =	sadd.s32 s8, s25;
	[dreg:$0xd] =	wrdreg s19  }
0x16: {  	s20 =	sadd.s32 $0x800, s1;
	[dreg:$0x14] =	wrdreg s0  }
0x17: {  	s28 =	simm.s32 $0x1;
	s21 =	sadd.s32 $0x200, s9;
	[dreg:$0xe] =	wrdreg s20  }
0x18: {  	s31 =	simm.s32 $0x400;
	s22 =	sadd.s32 $0x400, s9;
	[dreg:$0xf] =	wrdreg s21  }
0x19: {  	s16 =	simm.s32 $0x1B00;
	s23 =	sadd.s32 $0x600, s9;
	[dreg:$0x10] =	wrdreg s22  }
0x1a: {  	s24 =	sadd.s32 $0x1000, s9;
	s29 =	sadd.s32 $0xA00, s15;
	[dreg:$0x11] =	wrdreg s23  }
0x1b: {  	s19 =	simm.s32 $0x80;
	s0 =	simm.s32 $0x0;
	[dreg:$0x12] =	wrdreg s24  }
0x1c: {  	v0 =	vimm.f32 $0.0e+00;
	[dreg:$0x15] =	wrdreg s29;
	s20 =	simm.s32 $0x200;
	s21 =	simm.s32 $0x1800  }
.LBB2_1:
0x1d: {  	[tilespmem:s2], [sflag:$0x1] =	stream.strided.gather [hbm4b:s3+s19], $0x400, s20, s19, $0x38;
	[tilespmem:$0x2B00] =	vst v63  }
0x1e: {  	s1 =	rddreg [dreg:$0x9]  }
0x1f: {  	[tilespmem:s31], [sflag:$0x1] =	stream.strided.gather [hbm4b:s1+s19], $0x400, s20, s19, $0x38;
	[tilespmem:$0x2B00] =	vst v63  }
0x20: {  	s11 =	simm.s32 $0x800;
	s4 =	rddreg [dreg:$0xa]  }
0x21: {  	[tilespmem:s11], [sflag:$0x1] =	stream.strided.gather [hbm4b:s4+s19], $0x400, s20, s19, $0x38;
	[tilespmem:$0x2B00] =	vst v63  }
0x22: {  	s12 =	simm.s32 $0xC00;
	s5 =	rddreg [dreg:$0xb]  }
0x23: {  	[tilespmem:s12], [sflag:$0x1] =	stream.strided.gather [hbm4b:s5+s19], $0x400, s20, s19, $0x38;
	[tilespmem:$0x2B00] =	vst v63  }
0x24: {  	s13 =	simm.s32 $0x1000;
	s6 =	rddreg [dreg:$0xc]  }
0x25: {  	[tilespmem:s13], [sflag:$0x1] =	stream.strided.gather [hbm4b:s6+s19], $0x400, s31, s19, $0x38;
	[tilespmem:$0x2B00] =	vst v63  }
0x26: {  	s14 =	simm.s32 $0x1400;
	s7 =	rddreg [dreg:$0xd]  }
0x27: {  	[tilespmem:s14], [sflag:$0x1] =	stream.strided.gather [hbm4b:s7+s19], $0x400, s31, s19, $0x38;
	[tilespmem:$0x2B00] =	vst v63  }
0x28: {  	s15 =	rddreg [dreg:$0xe]  }
0x29: {  	[tilespmem:s21], [sflag:$0x1] =	stream.linear.gather [hbm4b:s15+s2], $0x80, $0x38;
	[tilespmem:$0x2B00] =	vst v63  }
0x2a: {  	s17 =	simm.s32 $0x1880  }
0x2b: {  	[tilespmem:s17], [sflag:$0x1] =	stream.linear.gather [hbm4b:s9+s2], $0x80, $0x38;
	[tilespmem:$0x2B00] =	vst v63  }
0x2c: {  	s18 =	rddreg [dreg:$0xf];
	s8 =	simm.s32 $0x1900  }
0x2d: {  	[tilespmem:s8], [sflag:$0x1] =	stream.linear.gather [hbm4b:s18+s2], $0x80, $0x38;
	[tilespmem:$0x2B00] =	vst v63  }
0x2e: {  	s22 =	rddreg [dreg:$0x10];
	s23 =	simm.s32 $0x1980  }
0x2f: {  	[tilespmem:s23], [sflag:$0x1] =	stream.linear.gather [hbm4b:s22+s2], $0x80, $0x38;
	[tilespmem:$0x2B00] =	vst v63  }
0x30: {  	s24 =	rddreg [dreg:$0x11];
	s25 =	simm.s32 $0x1A00  }
0x31: {  	[tilespmem:s25], [sflag:$0x1] =	stream.linear.gather [hbm4b:s24+s2], $0x80, $0x38;
	[tilespmem:$0x2B00] =	vst v63  }
0x32: {  	s26 =	rddreg [dreg:$0x12];
	s29 =	simm.s32 $0x1A80  }
0x33: {  	[tilespmem:s29], [sflag:$0x1] =	stream.linear.gather [hbm4b:s26+s2], $0x80, $0x38;
	[tilespmem:$0x2B00] =	vst v63  }
0x34: {  	_ =	swait.ge [sflag:s28], $0x400  }
0x35: {  	[sflag:s28] =	ssyncset.done $0x0  }
0x36: {  	[sflag:s28] =	ssyncadd.s32 $0xFFFFFC00  }
0x37: {  	_ =	swait.ge [sflag:s28], $0x400  }
0x38: {  	[sflag:s28] =	ssyncset.done $0x0  }
0x39: {  	[sflag:s28] =	ssyncadd.s32 $0xFFFFFC00  }
0x3a: {  	_ =	swait.ge [sflag:s28], $0x400  }
0x3b: {  	[sflag:s28] =	ssyncset.done $0x0  }
0x3c: {  	[sflag:s28] =	ssyncadd.s32 $0xFFFFFC00  }
0x3d: {  	_ =	swait.ge [sflag:s28], $0x400  }
0x3e: {  	[sflag:s28] =	ssyncset.done $0x0  }
0x3f: {  	[sflag:s28] =	ssyncadd.s32 $0xFFFFFC00  }
0x40: {  	_ =	swait.ge [sflag:s28], $0x400  }
0x41: {  	[sflag:s28] =	ssyncset.done $0x0  }
0x42: {  	[sflag:s28] =	ssyncadd.s32 $0xFFFFFC00  }
0x43: {  	_ =	swait.ge [sflag:s28], $0x400  }
0x44: {  	[sflag:s28] =	ssyncset.done $0x0  }
0x45: {  	[sflag:s28] =	ssyncadd.s32 $0xFFFFFC00  }
0x46: {  	_ =	swait.ge [sflag:s28], $0x80  }
0x47: {  	[sflag:s28] =	ssyncset.done $0x0  }
0x48: {  	[sflag:s28] =	ssyncadd.s32 $0xFFFFFF80  }
0x49: {  	_ =	swait.ge [sflag:s28], $0x80  }
0x4a: {  	[sflag:s28] =	ssyncset.done $0x0  }
0x4b: {  	[sflag:s28] =	ssyncadd.s32 $0xFFFFFF80  }
0x4c: {  	_ =	swait.ge [sflag:s28], $0x80  }
0x4d: {  	[sflag:s28] =	ssyncset.done $0x0  }
0x4e: {  	[sflag:s28] =	ssyncadd.s32 $0xFFFFFF80  }
0x4f: {  	_ =	swait.ge [sflag:s28], $0x80  }
0x50: {  	[sflag:s28] =	ssyncset.done $0x0  }
0x51: {  	[sflag:s28] =	ssyncadd.s32 $0xFFFFFF80  }
0x52: {  	_ =	swait.ge [sflag:s28], $0x80  }
0x53: {  	[sflag:s28] =	ssyncset.done $0x0  }
0x54: {  	[sflag:s28] =	ssyncadd.s32 $0xFFFFFF80  }
0x55: {  	_ =	swait.ge [sflag:s28], $0x80  }
0x56: {  	[sflag:s28] =	ssyncset.done $0x0  }
0x57: {  	[sflag:s28] =	ssyncadd.s32 $0xFFFFFF80  }
0x58: {  	v1 =	vld [tilespmem:s13+$0x0]  }
0x59: {  	v10 =	vld [tilespmem:s12+$0x0]  }
0x5a: {  	v2 =	vld [tilespmem:s31+$0x0]  }
0x5b: {  	s10 =	simm.s32 $0x1010;
	v5 =	vld [tilespmem:s11+$0x0]  }
0x5c: {  	v13 =	vld [tilespmem:s10+$0x0]  }
0x5d: {  	v6 =	vld [tilespmem:s2+$0x0]  }
0x5e: {  	s15 =	simm.s32 $0x1410;
	v8 =	vld [tilespmem:s14+$0x0]  }
0x5f: {  	s13 =	simm.s32 $0x810;
	v21 =	vld [tilespmem:s15+$0x0]  }
0x60: {  	s14 =	simm.s32 $0x10;
	v17 =	vld [tilespmem:s13+$0x0];
	v3 =	vadd.s32 $0x180, v1  }
0x61: {  	v18 =	vld [tilespmem:s14+$0x0];
	v4 =	vadd.s32 $0x80, v1  }
0x62: {  	s11 =	simm.s32 $0xC10;
	v9 =	vadd.s32 $0x200, v1;
	v11 =	vld.idx.msk [tilespmem:v1+s21+$0x0], $0xffff  }
0x63: {  	v7 =	vadd.s32 $0x100, v1;
	v12 =	vadd.s32 $0x280, v1;
	v1 =	vld [tilespmem:s11+$0x0]  }
0x64: {  	v22 =	vld.idx.msk [tilespmem:v13+s21+$0x0], $0xffff  }
0x65: {  	v3 =	vld.idx.msk [tilespmem:v3+s21+$0x0], $0xffff  }
0x66: {  	v15 =	vadd.s32 $0x180, v13;
	v4 =	vld.idx.msk [tilespmem:v4+s21+$0x0], $0xffff  }
0x67: {  	s12 =	simm.s32 $0x410;
	v19 =	vadd.s32 $0x200, v13;
	v14 =	vld.idx.msk [tilespmem:v9+s21+$0x0], $0xffff  }
0x68: {  	v16 =	vsub.f32 v10, v2;
	vm1 =	vlt.s32 v8, $0x0;
	v20 =	vadd.s32 $0x80, v13;
	v9 =	vld [tilespmem:s12+$0x0]  }
0x69: {  	vm4 =	vgt.s32 v8, $0x0;
	vm5 =	veq.s32 v8, $0x0;
	v8 =	vadd.s32 $0x280, v13;
	v7 =	vld.idx.msk [tilespmem:v7+s21+$0x0], $0xffff  }
0x6a: {  	v2 =	vadd.s32 $0x100, v13;
	vm3 =	vgt.f32 v16, $0.0e+00;
	v12 =	vld.idx.msk [tilespmem:v12+s21+$0x0], $0xffff;
	vm2 =	veq.f32 v11, $0.0e+00  }
0x6b: {  	v23 =	vld.idx.msk [tilespmem:v15+s21+$0x0], $0xffff;
	vm1 =	vmor vm2, vm1;
	vm2 =	vgt.f32 v5, v6;
	v4 =	vsub.f32 v4, v3  }
0x6c: {  	vm6 =	veq.s32 v21, $0x0;
	v15 =	vld.idx.msk [tilespmem:v19+s21+$0x0], $0xffff;
	vm2 =	vmand vm2, vm3  }
0x6d: {  	vm3 =	vgt.f32 v11, $0.0e+00;
	v11 =	vsub.f32 v1, v9;
	v9 =	vld.idx.msk [tilespmem:v20+s21+$0x0], $0xffff;
	vm0 =	vne.f32 v4, $0.0e+00  }
0x6e: {  	vm7 =	vgt.f32 v22, $0.0e+00;
	v13 =	vsub.f32 v5, v3;
	v20 =	vld.idx.msk [tilespmem:v8+s21+$0x0], $0xffff;
	v4 =	vnsel vm0, $0x3F800000, v4  }
0x6f: {  	s17 =	simm.s32 $0x1020;
	v3 =	vsub.f32 v6, v3;
	(erf) = vrcp.f32 v4;
	v4 =	vsub.f32 v7, v14;
	v7 =	vld.idx.msk [tilespmem:v2+s21+$0x0], $0xffff  }
0x70: {  	s18 =	simm.s32 $0xC20;
	vm3 =	vmand vm4, vm3;
	vm2 =	vmand vm2, vm0;
	v2 =	vsel vm5, $0x0, v12;
	v12 =	vld [tilespmem:s17+$0x0]  }
0x71: {  	s22 =	simm.s32 $0x420;
	vm4 =	vlt.s32 v21, $0x0;
	vm2 =	vmand vm3, vm2;
	v24 =	vsel vm1, $0xBF800000, v2;
	v2 =	vld [tilespmem:s18+$0x0]  }
0x72: {  	vm3 =	vgt.f32 v11, $0.0e+00;
	vm5 =	veq.f32 v22, $0.0e+00;
	(erf) = vrcp.f32 v16;
	v16 =	vld [tilespmem:s22+$0x0]  }
0x73: {  	vm1 =	vmmov vm0;
	vm0 =	vmmov vm2;
	vm2 =	vmor vm5, vm4  }
0x74: {  	vm4 =	vgt.f32 v17, v18;
	vm5 =	vgt.s32 v21, $0x0;
	v9 =	vsub.f32 v9, v23  }
0x75: {  	s24 =	simm.s32 $0x20;
	v20 =	vsel vm6, $0x0, v20;
	v19 =	vsub.f32 v7, v15;
	v7 =	vadd.s32 $0x180, v12  }
0x76: {  	s25 =	simm.s32 $0x1420;
	v6 =	vld [tilespmem:s24+$0x0];
	v17 =	vsub.f32 v17, v23;
	vm3 =	vmand vm4, vm3;
	v25 =	vadd.s32 $0x100, v12  }
0x77: {  	vm4 =	vne.f32 v9, $0.0e+00;
	v26 =	vadd.s32 $0x200, v12;
	v8 =	vsub.f32 v2, v16;
	v16 =	vld [tilespmem:s25+$0x0]  }
0x78: {  	s23 =	simm.s32 $0x820;
	v18 =	vsub.f32 v18, v23;
	vm5 =	vmand vm5, vm7;
	v9 =	vnsel vm4, $0x3F800000, v9;
	v22 =	vld.idx.msk [tilespmem:v12+s21+$0x0], $0xffff;
	v5 =	vpop (erf)  }
0x79: {  	vm3 =	vmand vm3, vm4;
	v21 =	vadd.s32 $0x80, v12;
	v4 =	vmul.f32 v5, v4;
	v5 =	vld [tilespmem:s23+$0x0]  }
0x7a: {  	vm7 =	vmmov vm0;
	vm3 =	vmand vm5, vm3;
	(erf) = vrcp.f32 v9;
	v9 =	vld.idx.msk [tilespmem:v7+s21+$0x0], $0xffff  }
0x7b: {  	v3 =	vmul.f32 v4, v3;
	v7 =	vmul.f32 v4, v13;
	v13 =	vadd.s32 $0x280, v12;
	v12 =	vld.idx.msk [tilespmem:v25+s21+$0x0], $0xffff  }
0x7c: {  	s26 =	simm.s32 $0x1030;
	vm0 =	vmmov vm3;
	vm6 =	vgt.f32 v8, $0.0e+00;
	vm5 =	vlt.s32 v16, $0x0;
	v4 =	vld.idx.msk [tilespmem:v26+s21+$0x0], $0xffff  }
0x7d: {  	v25 =	vld [tilespmem:s26+$0x0];
	vm3 =	veq.f32 v22, $0.0e+00;
	v3 =	vadd.f32 v3, v14;
	v14 =	vadd.f32 v7, v14  }
0x7e: {  	v7 =	vsel vm2, $0xBF800000, v20;
	v20 =	vld.idx.msk [tilespmem:v21+s21+$0x0], $0xffff;
	v21 =	vpop (erf);
	vm2 =	vmmov vm4;
	(erf) = vrcp.f32 v11  }
0x7f: {  	vm4 =	vmor vm3, vm5;
	vm5 =	vgt.s32 v16, $0x0;
	vm3 =	veq.s32 v16, $0x0  }
0x80: {  	s5 =	simm.s32 $0x430;
	vm8 =	vgt.f32 v5, v6;
	v3 =	vnsel vm1, $0x0, v3;
	vm1 =	vmmov vm1  }
0x81: {  	v23 =	vld [tilespmem:s5+$0x0];
	vm6 =	vmand vm8, vm6;
	v3 =	vsub.f32 v3, v10;
	v11 =	vsub.f32 v12, v4  }
0x82: {  	s4 =	simm.s32 $0xC30;
	v16 =	vnsel vm1, $0x0, v14;
	v12 =	vsel vm7, $0x3F800000, v0;
	v28 =	vadd.s32 $0x180, v25;
	v29 =	vld.idx.msk [tilespmem:v13+s21+$0x0], $0xffff  }
0x83: {  	s6 =	simm.s32 $0x830;
	v30 =	vadd.s32 $0x100, v25;
	v27 =	vpop (erf);
	v26 =	vmul.f32 v3, v21;
	v3 =	vld [tilespmem:s4+$0x0];
	v20 =	vsub.f32 v20, v9  }
0x84: {  	s30 =	simm.s32 $0x2710;
	s29 =	simm.s32 $0x0;
	s12 =	simm.s32 $0x30;
	v14 =	vld [tilespmem:s6+$0x0];
	vm7 =	vgt.f32 v22, $0.0e+00;
	v31 =	vadd.s32 $0x80, v25;
	v13 =	vmul.f32 v27, v19  }
0x85: {  	s7 =	simm.s32 $0x10;
	s1 =	sand.u32 $0x70, s29;
	s10 =	simm.s32 $0x0;
	v10 =	vsub.f32 v16, v10;
	v16 =	vld [tilespmem:s12+$0x0];
	v27 =	vadd.s32 $0x200, v25;
	vm1 =	vne.f32 v20, $0.0e+00  }
0x86: {  	s15 =	sand.u32 $0x700, s10;
	s13 =	simm.s32 $0x1430;
	s10 =	sand.u32 $0xFFFFFF80, s10;
	v22 =	vmul.f32 v13, v18;
	v32 =	vmul.f32 v13, v17;
	v13 =	vld.idx.msk [tilespmem:v25+s21+$0x0], $0xffff;
	v19 =	vnsel vm1, $0x3F800000, v20  }
0x87: {  	s8 =	simm.s32 $0x20;
	s15 =	sor.u32 s1, s15;
	s1 =	sor.u32 s1, s10;
	vm5 =	vmand vm5, vm7;
	v63 =	vmul.f32 v10, v21;
	(erf) = vrcp.f32 v19;
	v19 =	vld [tilespmem:s13+$0x0]  }
0x88: {  	s14 =	simm.s32 $0x30;
	s10 =	simm.s32 $0x1B10;
	s1 =	sor.u32 $0x80, s1;
	vm6 =	vmand vm6, vm1;
	v18 =	vld.idx.msk [tilespmem:v28+s21+$0x0], $0xffff;
	v20 =	vsub.f32 v3, v23;
	v23 =	vadd.f32 v22, v15  }
0x89: {  	s11 =	sand.u32 $0x700, s8;
	s24 =	simm.s32 $0x40;
	[tilespmem:s16+$0x0] =	vst v24;
	s23 =	simm.s32 $0x60;
	v17 =	vadd.s32 $0x280, v25;
	v25 =	vsel vm3, $0x0, v29;
	v24 =	vld.idx.msk [tilespmem:v31+s21+$0x0], $0xffff;
	vm5 =	vmand vm5, vm6  }
0x8a: {  	s16 =	simm.s32 $0x1040;
	s25 =	simm.s32 $0x20;
	s22 =	sand.u32 $0x700, s23;
	[tilespmem:s15+$0x1F00] =	vst v26;
	v21 =	vsel vm4, $0xBF800000, v25;
	vm6 =	vmmov vm2;
	v22 =	vld.idx.msk [tilespmem:v30+s21+$0x0], $0xffff;
	v26 =	vnsel vm2, $0x0, v23  }
0x8b: {  	s26 =	sand.u32 $0x700, s24;
	s15 =	simm.s32 $0x2700;
	[tilespmem:s1+$0x1F00] =	vst v63;
	s1 =	simm.s32 $0x30;
	v10 =	vld.idx.msk [tilespmem:v27+s21+$0x0], $0xffff;
	vm3 =	vgt.f32 v20, $0.0e+00;
	v23 =	vadd.f32 v32, v15;
	v15 =	vpop (erf);
	v25 =	vsub.f32 v26, v1  }
.LBB2_2:
0x8c: {  	s14 =	sadd.s32 $0x10, s14;
	vm4 =	vlt.s32 v19, $0x0;
	v27 =	vsub.f32 v5, v9  }
0x8d: {  	v26 =	vld [tilespmem:s16+$0x0];
	s4 =	sadd.s32 $0x10, s4;
	s5 =	sadd.s32 $0x10, s5;
	[tilespmem:s15+$0x0] =	vst v12;
	v5 =	vmovc v14;
	vm2 =	vmmov vm1;
	vm1 =	vmmov vm0;
	vm0 =	vmmov vm5;
	s15 =	smov.u32 s30  }
0x8e: {  	vm5 =	veq.f32 v13, $0.0e+00;
	s7 =	sand.u32 $0x70, s7;
	s8 =	sand.u32 $0xFFFFFF80, s8;
	v28 =	vld [tilespmem:s4+$0x0];
	s18 =	sshll.u32 s14, $0x1;
	(erf) = vrcp.f32 v8;
	v12 =	vmul.f32 v25, v15;
	v8 =	vmovc v20  }
0x8f: {  	vm4 =	vmor vm5, vm4;
	vm8 =	vgt.f32 v5, v16;
	v25 =	vsub.f32 v6, v9;
	s11 =	sor.u32 s7, s11;
	s17 =	sor.u32 s7, s8;
	v6 =	vmovc v16;
	v20 =	vld [tilespmem:s5+$0x0];
	s29 =	sand.u32 $0x700, s18;
	[tilespmem:s10+$0x0] =	vst v7  }
0x90: {  	vm7 =	veq.s32 v19, $0x0;
	p0 =	slt.u32 s14, $0x3D0;
	vm5 =	vgt.s32 v19, $0x0;
	v9 =	vmovc v18;
	s7 =	smov.u32 s25;
	s25 =	smov.u32 s1;
	vm3 =	vmand vm8, vm3;
	v7 =	vmovc v21;
	[tilespmem:s11+$0x1F00] =	vst v12  }
0x91: {  	v19 =	vnsel vm6, $0x0, v23;
	s1 =	smov.u32 s14;
	s8 =	smov.u32 s24;
	s24 =	smov.u32 s23;
	v18 =	vsub.f32 v22, v10;
	v12 =	vsel vm1, $0x3F800000, v0;
	v16 =	vpop (erf)  }
0x92: {  	s6 =	sadd.s32 $0x10, s6;
	s23 =	smov.u32 s18;
	s11 =	smov.u32 s26;
	v21 =	vadd.s32 $0x80, v26;
	v22 =	vadd.s32 $0x180, v26;
	v23 =	vld.idx.msk [tilespmem:v17+s21+$0x0], $0xffff;
	v17 =	vsub.f32 v24, v9  }
0x93: {  	s12 =	sadd.s32 $0x10, s12;
	v30 =	vsub.f32 v19, v1;
	v1 =	vmovc v2;
	v2 =	vmovc v3;
	s26 =	smov.u32 s22;
	s22 =	smov.u32 s29;
	v24 =	vadd.s32 $0x100, v26;
	v29 =	vmul.f32 v16, v11;
	v14 =	vld [tilespmem:s6+$0x0]  }
0x94: {  	s13 =	sadd.s32 $0x10, s13;
	v31 =	vadd.s32 $0x200, v26;
	v11 =	vmovc v18;
	v3 =	vmovc v28;
	v16 =	vld [tilespmem:s12+$0x0];
	v20 =	vsub.f32 v28, v20;
	vm1 =	vne.f32 v17, $0.0e+00  }
0x95: {  	vm6 =	vgt.f32 v13, $0.0e+00;
	v25 =	vmul.f32 v29, v25;
	v19 =	vld [tilespmem:s13+$0x0];
	v17 =	vnsel vm1, $0x3F800000, v17  }
.Ltmp0:
0x96: {  	vm5 =	vmand vm5, vm6;
	vm3 =	vmand vm3, vm1;
	v13 =	vld.idx.msk [tilespmem:v26+s21+$0x0], $0xffff;
	(erf) = vrcp.f32 v17;
	(pc) =	sbr.rel @p0 .LBB2_2-.Ltmp0, $4  }
0x97: {  	v27 =	vmul.f32 v29, v27;
	vm5 =	vmand vm5, vm3;
	v25 =	vadd.f32 v25, v4;
	v18 =	vld.idx.msk [tilespmem:v22+s21+$0x0], $0xffff;
	v28 =	vpop (erf)  }
0x98: {  	v29 =	vmul.f32 v30, v15;
	v17 =	vadd.s32 $0x280, v26;
	v26 =	vsel vm7, $0x0, v23;
	v22 =	vld.idx.msk [tilespmem:v24+s21+$0x0], $0xffff;
	v15 =	vmovc v28  }
0x99: {  	s17 =	sor.u32 $0x80, s17;
	vm3 =	vgt.f32 v20, $0.0e+00;
	v23 =	vadd.f32 v27, v4;
	v4 =	vmovc v10;
	v25 =	vnsel vm2, $0x0, v25;
	v10 =	vld.idx.msk [tilespmem:v31+s21+$0x0], $0xffff  }
0x9a: {  	s16 =	sadd.s32 $0x10, s16;
	s30 =	sadd.s32 $0x10, s30;
	s10 =	sadd.s32 $0x10, s10;
	vm6 =	vmmov vm2;
	v25 =	vsub.f32 v25, v1;
	v24 =	vld.idx.msk [tilespmem:v21+s21+$0x0], $0xffff;
	v21 =	vsel vm4, $0xBF800000, v26;
	[tilespmem:s17+$0x1F00] =	vst v29  }
0x9b: {  	_ =	sdelay $0x3  }
0x9c: {  	v24 =	vsub.f32 v24, v18;
	_ =	sdelay $0x1  }
0x9d: {  	vm2 =	vne.f32 v24, $0.0e+00  }
0x9e: {  	(erf) = vrcp.f32 v8;
	v36 =	vnsel vm2, $0x3F800000, v24  }
0x9f: {  	(erf) = vrcp.f32 v36;
	_ =	sdelay $0x1  }
0xa0: {  	vm4 =	vlt.s32 v19, $0x0;
	v5 =	vsub.f32 v5, v9  }
0xa1: {  	vm7 =	vmmov vm1;
	vm8 =	vmmov vm0;
	vm15 =	veq.f32 v13, $0.0e+00  }
0xa2: {  	vm9 =	vgt.f32 v14, v16;
	v6 =	vsub.f32 v6, v9;
	vm10 =	vmmov vm5  }
0xa3: {  	vm12 =	vgt.s32 v19, $0x0;
	vm13 =	veq.s32 v19, $0x0;
	v40 =	vnsel vm6, $0x0, v23;
	v37 =	vpop (erf)  }
0xa4: {  	vm14 =	vgt.f32 v13, $0.0e+00;
	vm0 =	vmor vm15, vm4;
	v8 =	vmul.f32 v37, v11  }
0xa5: {  	v38 =	vmul.f32 v25, v15;
	vm11 =	vmand vm9, vm3;
	v41 =	vsel vm8, $0x3F800000, v0  }
0xa6: {  	v1 =	vsub.f32 v40, v1;
	v39 =	vsub.f32 v22, v10;
	v6 =	vmul.f32 v8, v6;
	v42 =	vpop (erf)  }
0xa7: {  	vm3 =	vmand vm12, vm14;
	v5 =	vmul.f32 v8, v5;
	(erf) = vrcp.f32 v20;
	v43 =	vpop (erf)  }
0xa8: {  	v44 =	vsub.f32 v16, v18;
	v6 =	vadd.f32 v6, v4;
	v8 =	vmul.f32 v43, v39  }
0xa9: {  	[tilespmem:s15+$0x0] =	vst v12;
	s4 =	sand.u32 $0x70, s7;
	s5 =	sand.u32 $0xFFFFFF80, s8;
	v46 =	vsub.f32 v14, v18;
	vm15 =	vmmov vm7;
	v45 =	vadd.f32 v5, v4  }
0xaa: {  	[tilespmem:s10+$0x0] =	vst v7;
	s6 =	sor.u32 s4, s11;
	s4 =	sor.u32 s4, s5;
	v1 =	vmul.f32 v1, v15;
	v6 =	vnsel vm7, $0x0, v6;
	v47 =	vmul.f32 v8, v44  }
0xab: {  	v48 =	vld.idx.msk [tilespmem:v17+s21+$0x0], $0xffff;
	s4 =	sor.u32 $0x80, s4;
	[tilespmem:s6+$0x1F00] =	vst v38;
	v4 =	vnsel vm15, $0x0, v45;
	v6 =	vsub.f32 v6, v2;
	v5 =	vmul.f32 v8, v46  }
0xac: {  	s13 =	sadd.s32 $0x10, s10;
	[tilespmem:s4+$0x1F00] =	vst v1;
	vm5 =	vmand vm11, vm2;
	v1 =	vsub.f32 v4, v2;
	v2 =	vadd.f32 v47, v10  }
0xad: {  	s14 =	sand.u32 $0x70, s25;
	s15 =	sand.u32 $0xFFFFFF80, s24;
	[tilespmem:s13+$0x0] =	vst v21;
	vm2 =	vmmov vm2;
	v49 =	vmul.f32 v6, v42;
	v5 =	vadd.f32 v5, v10  }
0xae: {  	s16 =	sor.u32 s14, s26;
	s5 =	sor.u32 s14, s15;
	[tilespmem:s30+$0x0] =	vst v41;
	v1 =	vmul.f32 v1, v42;
	v2 =	vnsel vm2, $0x0, v2;
	vm2 =	vmmov vm2  }
0xaf: {  	vm4 =	vmmov vm10;
	s5 =	sor.u32 $0x80, s5;
	[tilespmem:s16+$0x1F00] =	vst v49;
	v2 =	vsub.f32 v2, v3;
	v50 =	vnsel vm2, $0x0, v5  }
0xb0: {  	s17 =	sadd.s32 $0x10, s30;
	v52 =	vsel vm4, $0x3F800000, v0;
	v51 =	vsel vm13, $0x0, v48;
	[tilespmem:s5+$0x1F00] =	vst v1;
	v53 =	vpop (erf);
	v1 =	vsub.f32 v50, v3  }
0xb1: {  	s1 =	sand.u32 $0x70, s1;
	s18 =	sand.u32 $0xFFFFFF80, s23;
	s4 =	sadd.s32 $0x10, s13;
	vm6 =	vmand vm3, vm5;
	[tilespmem:s17+$0x0] =	vst v52;
	v3 =	vsel vm0, $0xBF800000, v51;
	v2 =	vmul.f32 v2, v53  }
0xb2: {  	s22 =	sor.u32 s1, s22;
	s1 =	sor.u32 s1, s18;
	vm7 =	vmmov vm6;
	[tilespmem:s4+$0x0] =	vst v3;
	v1 =	vmul.f32 v1, v53  }
0xb3: {  	s1 =	sor.u32 $0x80, s1;
	vm0 =	vmmov vm7;
	[tilespmem:s22+$0x1F00] =	vst v2  }
0xb4: {  	s23 =	sadd.s32 $0x10, s17;
	v2 =	vsel vm0, $0x3F800000, v0;
	[tilespmem:s1+$0x1F00] =	vst v1  }
0xb5: {  	[tilespmem:s23+$0x0] =	vst v2  }
0xb6: {  	v1 =	vld [tilespmem:$0x13D8];
	_ =	sdelay $0x4  }
0xb7: {  	v2 =	vadd.s32 $0x80, v1  }
0xb8: {  	v3 =	vadd.s32 $0x180, v1;
	_ =	sdelay $0x3  }
0xb9: {  	v2 =	vld.idx.msk [tilespmem:v2+s21+$0x0], $0xffff  }
0xba: {  	v3 =	vld.idx.msk [tilespmem:v3+s21+$0x0], $0xffff;
	_ =	sdelay $0x4  }
0xbb: {  	v54 =	vadd.s32 $0x100, v1;
	v2 =	vsub.f32 v2, v3;
	_ =	sdelay $0x1  }
0xbc: {  	v55 =	vadd.s32 $0x200, v1;
	vm0 =	vne.f32 v2, $0.0e+00  }
0xbd: {  	v2 =	vnsel vm0, $0x3F800000, v2  }
0xbe: {  	v6 =	vld [tilespmem:$0x7D8];
	(erf) = vrcp.f32 v2  }
0xbf: {  	v4 =	vld.idx.msk [tilespmem:v54+s21+$0x0], $0xffff  }
0xc0: {  	v2 =	vld [tilespmem:$0xFD8]  }
0xc1: {  	v5 =	vld.idx.msk [tilespmem:v55+s21+$0x0], $0xffff;
	_ =	sdelay $0x1  }
0xc2: {  	v56 =	vld [tilespmem:$0x3D8]  }
0xc3: {  	v58 =	vld [tilespmem:$0xBD8]  }
0xc4: {  	v6 =	vsub.f32 v2, v6  }
0xc5: {  	v57 =	vadd.s32 $0x280, v1;
	v4 =	vsub.f32 v4, v5  }
0xc6: {  	v59 =	vld [tilespmem:$0x17D8];
	v60 =	vpop (erf);
	(erf) = vrcp.f32 v6  }
0xc7: {  	v61 =	vsub.f32 v56, v3;
	v4 =	vmul.f32 v60, v4  }
0xc8: {  	v1 =	vld.idx.msk [tilespmem:v1+s21+$0x0], $0xffff;
	v3 =	vsub.f32 v58, v3  }
0xc9: {  	v11 =	vmul.f32 v4, v61  }
0xca: {  	v8 =	vld.idx.msk [tilespmem:v57+s21+$0x0], $0xffff;
	v3 =	vmul.f32 v4, v3  }
0xcb: {  	vm8 =	vgt.s32 v59, $0x0;
	vm9 =	veq.s32 v59, $0x0;
	v62 =	vadd.f32 v11, v5  }
0xcc: {  	vm11 =	vlt.s32 v59, $0x0;
	vm13 =	vgt.f32 v58, v56;
	v3 =	vadd.f32 v3, v5  }
0xcd: {  	vm10 =	vgt.f32 v1, $0.0e+00;
	vm12 =	veq.f32 v1, $0.0e+00;
	v1 =	vnsel vm0, $0x0, v62  }
0xce: {  	vm2 =	vmor vm12, vm11;
	v3 =	vnsel vm0, $0x0, v3;
	v1 =	vsub.f32 v1, v2  }
0xcf: {  	v8 =	vsel vm9, $0x0, v8;
	vm14 =	vgt.f32 v6, $0.0e+00;
	v2 =	vsub.f32 v3, v2;
	v63 =	vpop (erf)  }
0xd0: {  	vm15 =	vmand vm13, vm14;
	v3 =	vsel vm2, $0xBF800000, v8;
	v1 =	vmul.f32 v1, v63  }
0xd1: {  	vm1 =	vmand vm8, vm10;
	vm0 =	vmand vm15, vm0;
	[tilespmem:$0x1ED8] =	vst v3;
	v2 =	vmul.f32 v2, v63  }
0xd2: {  	vm0 =	vmand vm1, vm0;
	[tilespmem:$0x2658] =	vst v1  }
0xd3: {  	[tilespmem:$0x26D8] =	vst v2;
	v1 =	vsel vm0, $0x3F800000, v0  }
0xd4: {  	s16 =	simm.s32 $0x1B00;
	s1 =	rddreg [dreg:$0x13];
	[tilespmem:$0x2AD8] =	vst v1  }
0xd5: {  	[hbm4b:s1+s2] =	stream.linear.scatter [tilespmem:s16], [sflag:$0x1], $0x400, $0x38;
	[tilespmem:$0x2B00] =	vst v63  }
0xd6: {  	s25 =	simm.s32 $0x1F00;
	s24 =	rddreg [dreg:$0x14]  }
0xd7: {  	[hbm4b:s24+s2] =	stream.linear.scatter [tilespmem:s25], [sflag:$0x1], $0x800, $0x38;
	[tilespmem:$0x2B00] =	vst v63  }
0xd8: {  	s29 =	simm.s32 $0x2700;
	s26 =	rddreg [dreg:$0x15]  }
0xd9: {  	[hbm4b:s26+s19] =	stream.strided.scatter [tilespmem:s29], [sflag:$0x1], $0x400, s31, s19, $0x38;
	[tilespmem:$0x2B00] =	vst v63  }
0xda: {  	_ =	swait.ge [sflag:s28], $0x400  }
0xdb: {  	[sflag:s28] =	ssyncset.done $0x0  }
0xdc: {  	[sflag:s28] =	ssyncadd.s32 $0xFFFFFC00  }
0xdd: {  	_ =	swait.ge [sflag:s28], $0x800  }
0xde: {  	[sflag:s28] =	ssyncset.done $0x0  }
0xdf: {  	[sflag:s28] =	ssyncadd.s32 $0xFFFFF800  }
0xe0: {  	_ =	swait.ge [sflag:s28], $0x400  }
0xe1: {  	s0 =	sadd.s32 $0x1, s0;
	s30 =	rddreg [dreg:$0x16]  }
0xe2: {  	p0 =	sne.s32 s0, s30  }
.Ltmp1:
0xe3: {  	_ = 	snop;
	(pc) =	sbr.rel @p0 .LBB2_1-.Ltmp1, $3  }
0xe4: {  	_ =	sdelay $0x1  }
0xe5: {  	[sflag:s28] =	ssyncset.done $0x0  }
0xe6: {  	[sflag:s28] =	ssyncadd.s32 $0xFFFFFC00  }
0xe7: {  	_ =	sfence.sel $0x180000  }
0xe8: {  	[bflag:$0x0] =	sbarrier.arrive $0xFFFF  }
0xe9: {  	_ =	strace $0x90000047  }
0xea: {  	s0 =	stileid.u32;
	[bflag:$0x2] =	sbarrier.arrive $0xFFFF  }
0xeb: {  	p0 =	sne.s32 s0, $0x0;
	s0 =	rddreg [dreg:$0x8]  }
0xec: {  	s0 =	sadd.s32 @!p0 $0x100000, s0  }
0xed: {  	[sflag:s0] =	ssyncadd.tile.s32 @!p0 $0x1;
	_ =	shalt  }
.Lfunc_end2:
_tile_overlayer_lowered:
.L_overlay_start_2:
0xee: {  	(tag) =	ssettag $0x2  }
0xef: {  	s0 =	rddreg [dreg:$0x0];
	s2 =	stileid.u32  }
0xf0: {  	s1 =	rddreg [dreg:$0x1];
	p0 =	sne.s32 s2, $0x0  }
0xf1: {  	s3 =	rddreg [dreg:$0x2];
	[bflag:$0x3] =	sbarrier.arrive $0xFFFF;
	s2 =	simm.s32 @!p0 $0x1C02  }
0xf2: {  	[timem:s3], [sflag:s2] =	dma.local @!p0 [hbm:s0], s1  }
0xf3: {  	s0 =	simm.s32 @!p0 $0x2  }
0xf4: {  	_ =	swait.ge @!p0 [sflag:s0], s1  }
0xf5: {  	s1 =	ssub.s32 @!p0 $0x0, s1;
	[sflag:s0] =	ssyncset.done @!p0 $0x0  }
0xf6: {  	[sflag:s0] =	ssyncadd.s32 @!p0 s1  }
0xf7: {  	[bflag:$0x3] =	sbarrier.arrive $0xFFFF  }
0xf8: {  	_ =	shalt  }

</sc_bundles>
